<compile_context>
chip_gen: v7x
topology: tpu7x:2x2x1
jax: 0.10.2.dev20260603
libtpu: 0.0.44.dev20260713+nightly
codegen_flags: <defaults>
</compile_context>

<pallas_src>
import jax
import jax.numpy as jnp
from jax import lax
from jax.experimental import pallas as pl
from jax.experimental.pallas import tpu as pltpu
from jax.experimental.pallas import tpu_sc as plsc

N = 10000
E = 320000
D = 128
H = 64
C = 10
G = 128

NC = 2
NS = 16
NW = NC * NS

K = 128
NBLK = 80
K2 = 64
NBLK2 = 160
NBLK_A = 160
NBLK_B = 160
NBLK_MAX = max(NBLK_A, NBLK_B)
EPT = K * NBLK
E_PAD = EPT * NW
N_PAD = 10240
STRIPE = N_PAD // NS
HALF = STRIPE // 2
HP = 64

RB = 1280
TGRID = N_PAD // RB

def _mesh():
    return plsc.VectorSubcoreMesh(core_axis_name="c", subcore_axis_name="s",
                                  num_cores=NC, num_subcores=NS)



DEG_R = N_PAD // 128


def _deg_body(dst2, zeros_n, iota_r, out_hbm, di_flat, table_v, idx_r, deg_sh):
    c = lax.axis_index("c")
    s = lax.axis_index("s")
    eid = c * NS + s
    pltpu.sync_copy(zeros_n, table_v)

    @pl.when(s == 0)
    def _zero_shared():
        pltpu.sync_copy(table_v, deg_sh)

    pltpu.sync_copy(dst2.at[eid], di_flat)
    pltpu.sync_copy(iota_r, idx_r)
    plsc.subcore_barrier()

    ones16 = jnp.ones((16,), jnp.float32)

    def body(i, carry):
        idx = di_flat[pl.ds(i * 16, 16)]
        plsc.addupdate_scatter(table_v, [idx >> 7, idx & 127], ones16)
        return carry

    lax.fori_loop(0, EPT // 16, body, 0)
    pltpu.sync_copy(table_v, deg_sh.at[idx_r], add=True)
    plsc.subcore_barrier()
    @pl.when(s < DEG_R // 8)
    def _copy_out():
        pltpu.sync_copy(deg_sh.at[pl.ds(s * 8, 8)],
                        table_v.at[pl.ds(0, 8)])
        pltpu.sync_copy(table_v.at[pl.ds(0, 8)],
                        out_hbm.at[c].at[pl.ds(s * 8, 8)])


def _sc_degree(dst2, zeros_n, iota_r):
    kfn = pl.kernel(
        _deg_body,
        out_type=jax.ShapeDtypeStruct((NC, DEG_R, 128), jnp.float32),
        mesh=_mesh(),
        compiler_params=pltpu.CompilerParams(needs_layout_passes=False),
        scratch_types=[
            pltpu.VMEM((EPT,), jnp.int32),
            pltpu.VMEM((DEG_R, 128), jnp.float32),
            pltpu.VMEM((DEG_R,), jnp.int32),
            pltpu.VMEM_SHARED((DEG_R, 128), jnp.float32),
        ],
    )
    return kfn(dst2, zeros_n, iota_r)


def _agg_pipeline(src_t, dst_t, nblk, hs_hbm, si_all, di_all, rows, sems,
                  acc_sh):
    pltpu.sync_copy(src_t, si_all.at[pl.ds(0, nblk)])
    pltpu.sync_copy(dst_t, di_all.at[pl.ds(0, nblk)])
    pltpu.async_copy(hs_hbm.at[si_all.at[0]], rows[0], sems[0])

    def body(g, carry):
        for b in range(2):
            j = 2 * g + b
            nxt = b ^ 1

            @pl.when(j + 1 < nblk)
            def _issue():
                pltpu.async_copy(hs_hbm.at[si_all.at[j + 1]], rows[nxt],
                                 sems[nxt])

            pltpu.make_async_copy(hs_hbm.at[si_all.at[j]], rows[b],
                                  sems[b]).wait()
            pltpu.sync_copy(rows[b], acc_sh.at[di_all.at[j]], add=True)
        return carry

    lax.fori_loop(0, nblk // 2, body, 0)


def _agg_body(hs_hbm, srcA, dstA, srcB, dstB, zeros_hbm, out_hbm,
              si_all, di_all, rows_a, rows_b, acc_sh, hs_sh, sem_a, sem_b):
    c = lax.axis_index("c")
    s = lax.axis_index("s")
    pltpu.sync_copy(zeros_hbm, acc_sh.at[pl.ds(s * STRIPE, STRIPE)])
    pltpu.sync_copy(hs_hbm.at[pl.ds(s * STRIPE, STRIPE)],
                    hs_sh.at[pl.ds(s * STRIPE, STRIPE)])
    plsc.subcore_barrier()

    rows = (rows_a, rows_b)
    sems = (sem_a, sem_b)

    @pl.when(c == 0)
    def _core0():
        _agg_pipeline(srcA.at[s], dstA.at[s], NBLK_A, hs_sh, si_all, di_all,
                      rows, sems, acc_sh)

    @pl.when(c == 1)
    def _core1():
        _agg_pipeline(srcB.at[s], dstB.at[s], NBLK_B, hs_sh, si_all, di_all,
                      rows, sems, acc_sh)

    plsc.subcore_barrier()
    pltpu.sync_copy(acc_sh.at[pl.ds(s * STRIPE, STRIPE)],
                    out_hbm.at[c].at[pl.ds(s * STRIPE, STRIPE)])


def _sc_aggregate(hs, srcA, dstA, srcB, dstB, zeros_half):
    kfn = pl.kernel(
        _agg_body,
        out_type=jax.ShapeDtypeStruct((NC, N_PAD, HP), jnp.float32),
        mesh=_mesh(),
        compiler_params=pltpu.CompilerParams(use_tc_tiling_on_sc=False),
        scratch_types=[
            pltpu.VMEM((NBLK_MAX, K2), jnp.int32),
            pltpu.VMEM((NBLK_MAX, K2), jnp.int32),
            pltpu.VMEM((K2, HP), jnp.float32),
            pltpu.VMEM((K2, HP), jnp.float32),
            pltpu.VMEM_SHARED((N_PAD, HP), jnp.float32),
            pltpu.VMEM_SHARED((N_PAD, HP), jnp.float32),
            pltpu.SemaphoreType.DMA,
            pltpu.SemaphoreType.DMA,
        ],
    )
    return kfn(hs, srcA, dstA, srcB, dstB, zeros_half)



def _tc1_body(x_ref, w_ref, deg_ref, hs_ref, dinv_ref):
    deg = deg_ref[0] + deg_ref[1] + 1.0
    dinv = lax.rsqrt(deg)[:, None]
    h = jnp.dot(x_ref[...], w_ref[...], preferred_element_type=jnp.float32)
    hs_ref[...] = h * dinv
    dinv_ref[...] = dinv


def _tc1(x, W1p, degp):
    return pl.pallas_call(
        _tc1_body,
        grid=(TGRID,),
        in_specs=[
            pl.BlockSpec((RB, D), lambda i: (i, 0)),
            pl.BlockSpec((D, HP), lambda i: (0, 0)),
            pl.BlockSpec((NC, RB), lambda i: (0, i)),
        ],
        out_specs=[
            pl.BlockSpec((RB, HP), lambda i: (i, 0)),
            pl.BlockSpec((RB, 1), lambda i: (i, 0)),
        ],
        out_shape=[
            jax.ShapeDtypeStruct((N_PAD, HP), jnp.float32),
            jax.ShapeDtypeStruct((N_PAD, 1), jnp.float32),
        ],
    )(x, W1p, degp)


def _tc2_body(acc_ref, hs_ref, dinv_ref, b_ref, w_ref, hs2_ref):
    dinv = dinv_ref[...]
    pre = dinv * (acc_ref[0] + acc_ref[1] + hs_ref[...]) + b_ref[...]
    out1 = jnp.maximum(pre, 0.0)
    h2 = jnp.dot(out1, w_ref[...], preferred_element_type=jnp.float32)
    hs2_ref[...] = h2 * dinv


def _tc2(acc1, hs1, dinv, b1p, W2p):
    return pl.pallas_call(
        _tc2_body,
        grid=(TGRID,),
        in_specs=[
            pl.BlockSpec((NC, RB, HP), lambda i: (0, i, 0)),
            pl.BlockSpec((RB, HP), lambda i: (i, 0)),
            pl.BlockSpec((RB, 1), lambda i: (i, 0)),
            pl.BlockSpec((1, HP), lambda i: (0, 0)),
            pl.BlockSpec((HP, HP), lambda i: (0, 0)),
        ],
        out_specs=pl.BlockSpec((RB, HP), lambda i: (i, 0)),
        out_shape=jax.ShapeDtypeStruct((N_PAD, HP), jnp.float32),
    )(acc1, hs1, dinv, b1p, W2p)


def _tc3_body(acc_ref, hs_ref, dinv_ref, b_ref, batch_ref, wfc_ref, bfc_ref,
              out_ref, pooled_acc, cnt_acc):
    i = pl.program_id(0)

    @pl.when(i == 0)
    def _init():
        pooled_acc[...] = jnp.zeros((G, HP), jnp.float32)
        cnt_acc[...] = jnp.zeros((G, 1), jnp.float32)

    pre = dinv_ref[...] * (acc_ref[0] + acc_ref[1] + hs_ref[...]) + b_ref[...]
    out2 = jnp.maximum(pre, 0.0)
    rid = i * RB + lax.broadcasted_iota(jnp.int32, (RB, 1), 0)
    valid = rid < N
    out2 = jnp.where(valid, out2, 0.0)
    oh = (batch_ref[...] ==
          lax.broadcasted_iota(jnp.int32, (1, G), 1)).astype(jnp.float32)
    oh = jnp.where(valid, oh, 0.0)
    dn = (((0,), (0,)), ((), ()))
    pooled_acc[...] += lax.dot_general(oh, out2, dn,
                                       preferred_element_type=jnp.float32)
    cnt_acc[...] += lax.dot_general(oh, jnp.ones((RB, 1), jnp.float32), dn,
                                    preferred_element_type=jnp.float32)

    @pl.when(i == TGRID - 1)
    def _fin():
        cnt = jnp.clip(cnt_acc[...], 1.0, None)
        pooled = pooled_acc[...] / cnt
        logits = (jnp.dot(pooled, wfc_ref[...], preferred_element_type=jnp.float32)
                  + bfc_ref[...])
        m = jnp.max(logits, axis=1, keepdims=True)
        z = logits - m
        lse = jnp.log(jnp.sum(jnp.exp(z), axis=1, keepdims=True))
        out_ref[...] = z - lse


def _tc3(acc2, hs2, dinv, b2p, batch2, Wfcp, bfc):
    return pl.pallas_call(
        _tc3_body,
        grid=(TGRID,),
        in_specs=[
            pl.BlockSpec((NC, RB, HP), lambda i: (0, i, 0)),
            pl.BlockSpec((RB, HP), lambda i: (i, 0)),
            pl.BlockSpec((RB, 1), lambda i: (i, 0)),
            pl.BlockSpec((1, HP), lambda i: (0, 0)),
            pl.BlockSpec((RB, 1), lambda i: (i, 0)),
            pl.BlockSpec((HP, C), lambda i: (0, 0)),
            pl.BlockSpec((1, C), lambda i: (0, 0)),
        ],
        out_specs=pl.BlockSpec((G, C), lambda i: (0, 0)),
        out_shape=jax.ShapeDtypeStruct((G, C), jnp.float32),
        scratch_shapes=[
            pltpu.VMEM((G, HP), jnp.float32),
            pltpu.VMEM((G, 1), jnp.float32),
        ],
    )(acc2, hs2, dinv, b2p, batch2, Wfcp, bfc)



@jax.jit
def _run(x, edge_index, batch, W1, b1, W2, b2, Wfc, bfc):
    src = edge_index[0]
    dst = edge_index[1]
    pad = jnp.full((E_PAD - E,), N, jnp.int32)
    src_p = jnp.concatenate([src, pad])
    dst_p = jnp.concatenate([dst, pad])
    ea = NS * NBLK_A * K2
    srcA = src_p[:ea].reshape(NS, NBLK_A, K2)
    srcB = src_p[ea:].reshape(NS, NBLK_B, K2)
    dstA = dst_p[:ea].reshape(NS, NBLK_A, K2)
    dstB = dst_p[ea:].reshape(NS, NBLK_B, K2)
    dst2 = dst_p.reshape(NW, EPT)

    zeros_n = jnp.zeros((DEG_R, 128), jnp.float32)
    iota_r = jnp.arange(DEG_R, dtype=jnp.int32)
    zeros_half = jnp.zeros((STRIPE, HP), jnp.float32)

    W1p = W1
    W2p = W2
    Wfcp = Wfc
    b1p = b1.reshape(1, HP)
    b2p = b2.reshape(1, HP)

    degp = _sc_degree(dst2, zeros_n, iota_r).reshape(NC, N_PAD)
    hs1, dinv = _tc1(x, W1p, degp)
    acc1 = _sc_aggregate(hs1, srcA, dstA, srcB, dstB, zeros_half)
    hs2 = _tc2(acc1, hs1, dinv, b1p, W2p)
    acc2 = _sc_aggregate(hs2, srcA, dstA, srcB, dstB, zeros_half)
    return _tc3(acc2, hs2, dinv, b2p, batch.reshape(N, 1),
                Wfcp, bfc.reshape(1, C))


def kernel(x, edge_index, batch, W1, b1, W2, b2, Wfc, bfc):
    return _run(x, edge_index, batch, W1, b1, W2, b2, Wfc, bfc)

# --- scband reference (transcript-rebuilt; emitter-appended) ---
"""Pipeline reference for scband-gcnmodel-24197845745728 (READ-ONLY COPY).

The authoritative reference and input builder live on the scoring server;
editing this copy changes nothing except your own understanding.
"""

import jax, jax.numpy as jnp
import numpy as np

N = 10000
E = 320000
D = 128
H = 64
C = 10
G = 128


def gcn_conv(x, edge_index, W, b):
    n = x.shape[0]
    src = edge_index[0]
    dst = edge_index[1]
    loop = jnp.arange(n, dtype=src.dtype)
    si = jnp.concatenate([src, loop])
    di = jnp.concatenate([dst, loop])
    deg = jax.ops.segment_sum(jnp.ones(si.shape[0], dtype=jnp.float32), di, num_segments=n)
    dinv = jnp.where(deg > 0, 1.0 / jnp.sqrt(deg), 0.0)
    norm = dinv[si] * dinv[di]
    h = x @ W
    msg = h[si] * norm[:, None]
    out = jax.ops.segment_sum(msg, di, num_segments=n)
    return out + b


def global_mean_pool(x, batch, num_graphs):
    s = jax.ops.segment_sum(x, batch, num_segments=num_graphs)
    cnt = jax.ops.segment_sum(jnp.ones(x.shape[0], dtype=jnp.float32), batch, num_segments=num_graphs)
    return s / jnp.clip(cnt, 1.0)[:, None]


def setup_inputs(seed: int = 0) -> dict:
    key = jax.random.key(seed)
    ks = jax.random.split(key, 8)
    x = jax.random.normal(ks[0], (N, D), dtype=jnp.float32)
    edge_index = jax.random.randint(ks[1], (2, E), 0, N, dtype=jnp.int32)
    batch = jnp.sort(jax.random.randint(ks[2], (N,), 0, G, dtype=jnp.int32))
    W1 = jax.random.normal(ks[3], (D, H), dtype=jnp.float32) * (1.0 / np.sqrt(D))
    b1 = jnp.zeros((H,), dtype=jnp.float32)
    W2 = jax.random.normal(ks[4], (H, H), dtype=jnp.float32) * (1.0 / np.sqrt(H))
    b2 = jnp.zeros((H,), dtype=jnp.float32)
    Wfc = jax.random.normal(ks[5], (H, C), dtype=jnp.float32) * (1.0 / np.sqrt(H))
    bfc = jnp.zeros((C,), dtype=jnp.float32)
    return {"x": x, "edge_index": edge_index, "batch": batch,
            "W1": W1, "b1": b1, "W2": W2, "b2": b2, "Wfc": Wfc, "bfc": bfc}


def reference(x, edge_index, batch, W1, b1, W2, b2, Wfc, bfc):
    # eval mode: dropout is identity
    h = jax.nn.relu(gcn_conv(x, edge_index, W1, b1))
    h = jax.nn.relu(gcn_conv(h, edge_index, W2, b2))
    pooled = global_mean_pool(h, batch, G)
    logits = pooled @ Wfc + bfc
    return jax.nn.log_softmax(logits, axis=1)

if __name__ == "__main__":
    import jax
    _d = setup_inputs()
    print(jax.jit(kernel)(*tuple(_d.values())))

</pallas_src>

<mosaic_0001>
#map = affine_map<(d0, d1) -> (0, 0)>
#map1 = affine_map<(d0, d1) -> (0)>
#map2 = affine_map<(d0, d1) -> (0, 0, 0)>
module attributes {stable_mosaic.version = 14 : i64} {
  func.func @_deg_body(%arg0: i32, %arg1: i32, %arg2: memref<32x10240xi32, #tpu.memory_space<hbm>>, %arg3: memref<80x128xf32, #tpu.memory_space<hbm>>, %arg4: memref<80xi32, #tpu.memory_space<hbm>>, %arg5: memref<2x80x128xf32, #tpu.memory_space<hbm>>, %arg6: memref<10240xi32, #tpu.memory_space<vmem>>, %arg7: memref<80x128xf32, #tpu.memory_space<vmem>>, %arg8: memref<80xi32, #tpu.memory_space<vmem>>, %arg9: memref<80x128xf32, #tpu.memory_space<vmem_shared>>) attributes {dimension_semantics = [#tpu.dimension_semantics<core_parallel>, #tpu.dimension_semantics<subcore_parallel>], iteration_bounds = array<i64: 2, 16>, scalar_prefetch = 0 : i64, scratch_operands = 4 : i64, tpu.core_type = #tpu.core_type<sc_vector_subcore>, window_params = [{transform_indices = #map}, {transform_indices = #map}, {transform_indices = #map1}, {transform_indices = #map2}]} {
    %mul3A = arith.constant 16 : i32
    %mul3A_0 = arith.muli %arg0, %mul3A : i32
    %add3A = arith.addi %mul3A_0, %arg1 : i32
    "tpu.region"() ({
      %run_scoped3A = tpu.sem_alloc : memref<!tpu.dma_semaphore, #tpu.memory_space<semaphore_mem>>
      tpu.enqueue_dma source(%arg3 : memref<80x128xf32, #tpu.memory_space<hbm>>) target(%arg7 : memref<80x128xf32, #tpu.memory_space<vmem>>) target_semaphore(%run_scoped3A : memref<!tpu.dma_semaphore, #tpu.memory_space<semaphore_mem>>)
      tpu.wait_dma2 semaphore(%run_scoped3A : memref<!tpu.dma_semaphore, #tpu.memory_space<semaphore_mem>>) src(%arg3 : memref<80x128xf32, #tpu.memory_space<hbm>>) dst(%arg7 : memref<80x128xf32, #tpu.memory_space<vmem>>)
      tpu.yield
    }) : () -> ()
    %eq3A = arith.constant 0 : i32
    %eq3A_1 = arith.cmpi eq, %arg1, %eq3A : i32
    %convert_element_type3A = arith.extui %eq3A_1 : i1 to i32
    %cond3A = arith.constant 0 : i32
    %cond3A_2 = arith.cmpi ne, %convert_element_type3A, %cond3A : i32
    scf.if %cond3A_2 {
      "tpu.region"() ({
        %run_scoped3A = tpu.sem_alloc : memref<!tpu.dma_semaphore, #tpu.memory_space<semaphore_mem>>
        tpu.enqueue_dma source(%arg7 : memref<80x128xf32, #tpu.memory_space<vmem>>) target(%arg9 : memref<80x128xf32, #tpu.memory_space<vmem_shared>>) target_semaphore(%run_scoped3A : memref<!tpu.dma_semaphore, #tpu.memory_space<semaphore_mem>>)
        tpu.wait_dma2 semaphore(%run_scoped3A : memref<!tpu.dma_semaphore, #tpu.memory_space<semaphore_mem>>) src(%arg7 : memref<80x128xf32, #tpu.memory_space<vmem>>) dst(%arg9 : memref<80x128xf32, #tpu.memory_space<vmem_shared>>)
        tpu.yield
      }) : () -> ()
    } else {
    }
    "tpu.region"() ({
      %run_scoped3A = tpu.sem_alloc : memref<!tpu.dma_semaphore, #tpu.memory_space<semaphore_mem>>
      %dma_start3A = arith.constant 0 : i32
      %dma_start3A_14 = tpu.memref_slice %arg2[%add3A, %dma_start3A] : memref<32x10240xi32, #tpu.memory_space<hbm>> -> memref<1x10240xi32, #tpu.memory_space<hbm>>
      %dma_start3A_15 = tpu.memref_squeeze %dma_start3A_14 : memref<1x10240xi32, #tpu.memory_space<hbm>> -> memref<10240xi32, #tpu.memory_space<hbm>>
      %dma_start3A_16 = arith.constant 0 : i32
      %dma_start3A_17 = tpu.memref_slice %arg2[%add3A, %dma_start3A_16] : memref<32x10240xi32, #tpu.memory_space<hbm>> -> memref<1x10240xi32, #tpu.memory_space<hbm>>
      %dma_start3A_18 = tpu.memref_squeeze %dma_start3A_17 : memref<1x10240xi32, #tpu.memory_space<hbm>> -> memref<10240xi32, #tpu.memory_space<hbm>>
      tpu.enqueue_dma source(%dma_start3A_18 : memref<10240xi32, #tpu.memory_space<hbm>>) target(%arg6 : memref<10240xi32, #tpu.memory_space<vmem>>) target_semaphore(%run_scoped3A : memref<!tpu.dma_semaphore, #tpu.memory_space<semaphore_mem>>)
      %dma_wait3A = arith.constant 0 : i32
      %dma_wait3A_19 = tpu.memref_slice %arg2[%add3A, %dma_wait3A] : memref<32x10240xi32, #tpu.memory_space<hbm>> -> memref<1x10240xi32, #tpu.memory_space<hbm>>
      %dma_wait3A_20 = tpu.memref_squeeze %dma_wait3A_19 : memref<1x10240xi32, #tpu.memory_space<hbm>> -> memref<10240xi32, #tpu.memory_space<hbm>>
      %dma_wait3A_21 = arith.constant 0 : i32
      %dma_wait3A_22 = tpu.memref_slice %arg2[%add3A, %dma_wait3A_21] : memref<32x10240xi32, #tpu.memory_space<hbm>> -> memref<1x10240xi32, #tpu.memory_space<hbm>>
      %dma_wait3A_23 = tpu.memref_squeeze %dma_wait3A_22 : memref<1x10240xi32, #tpu.memory_space<hbm>> -> memref<10240xi32, #tpu.memory_space<hbm>>
      tpu.wait_dma2 semaphore(%run_scoped3A : memref<!tpu.dma_semaphore, #tpu.memory_space<semaphore_mem>>) src(%dma_wait3A_23 : memref<10240xi32, #tpu.memory_space<hbm>>) dst(%arg6 : memref<10240xi32, #tpu.memory_space<vmem>>)
      tpu.yield
    }) : () -> ()
    "tpu.region"() ({
      %run_scoped3A = tpu.sem_alloc : memref<!tpu.dma_semaphore, #tpu.memory_space<semaphore_mem>>
      tpu.enqueue_dma source(%arg4 : memref<80xi32, #tpu.memory_space<hbm>>) target(%arg8 : memref<80xi32, #tpu.memory_space<vmem>>) target_semaphore(%run_scoped3A : memref<!tpu.dma_semaphore, #tpu.memory_space<semaphore_mem>>)
      tpu.wait_dma2 semaphore(%run_scoped3A : memref<!tpu.dma_semaphore, #tpu.memory_space<semaphore_mem>>) src(%arg4 : memref<80xi32, #tpu.memory_space<hbm>>) dst(%arg8 : memref<80xi32, #tpu.memory_space<vmem>>)
      tpu.yield
    }) : () -> ()
    %barrier3A = arith.constant 0 : index
    tpu.barrier barrier_id(%barrier3A)
    %broadcast_in_dim3A = arith.constant 1.000000e+00 : f32
    %broadcast_in_dim3A_3 = vector.broadcast %broadcast_in_dim3A : f32 to vector<16xf32>
    %scan3A = arith.constant 0 : i32
    %scan3A_4 = arith.constant 0 : i32
    %scan3A_5 = arith.constant 640 : i32
    %scan3A_6 = arith.addi %scan3A_4, %scan3A_5 : i32
    %scan3A_7 = arith.constant 1 : i32
    scf.for %scan3A_14 = %scan3A_4 to %scan3A_6 step %scan3A_7  : i32 {
      %mul3A_15 = arith.constant 16 : i32
      %mul3A_16 = arith.muli %scan3A_14, %mul3A_15 : i32
      %get3A = arith.index_cast %mul3A_16 : i32 to index
      %get3A_17 = tpu.vector_load %arg6[%get3A] {strides = array<i32>} : memref<10240xi32, #tpu.memory_space<vmem>>, vector<16xi32>,
      %shift_right_arithmetic3A = arith.constant 7 : i32
      %shift_right_arithmetic3A_18 = vector.broadcast %shift_right_arithmetic3A : i32 to vector<16xi32>
      %shift_right_arithmetic3A_19 = arith.shrsi %get3A_17, %shift_right_arithmetic3A_18 : vector<16xi32>
      %and3A = arith.constant 127 : i32
      %and3A_20 = vector.broadcast %and3A : i32 to vector<16xi32>
      %and3A_21 = arith.andi %get3A_17, %and3A_20 : vector<16xi32>
      tpu.vector_store_idx %arg7[%shift_right_arithmetic3A_19, %and3A_21], %broadcast_in_dim3A_3 {add = true} : memref<80x128xf32, #tpu.memory_space<vmem>>[vector<16xi32>, vector<16xi32>], vector<16xf32>,
    }
    %scan3A_8 = arith.constant 640 : i32
    "tpu.region"() ({
      %run_scoped3A = tpu.sem_alloc : memref<!tpu.dma_semaphore, #tpu.memory_space<semaphore_mem>>
      %dma_start3A = arith.constant 0 : i32
      %dma_start3A_14 = arith.constant 0 : i32
      %dma_start3A_15 = tpu.memref_slice %arg9[%dma_start3A, %dma_start3A_14] : memref<80x128xf32, #tpu.memory_space<vmem_shared>> -> memref<80x128xf32, #tpu.memory_space<vmem_shared>>
      tpu.enqueue_indirect_dma source(%arg7 : memref<80x128xf32, #tpu.memory_space<vmem>>) target(%dma_start3A_15 : memref<80x128xf32, #tpu.memory_space<vmem_shared>>) offsets(%arg8 : memref<80xi32, #tpu.memory_space<vmem>>) semaphore(%run_scoped3A : memref<!tpu.dma_semaphore, #tpu.memory_space<semaphore_mem>>) {add = true}
      %dma_wait3A = arith.constant 0 : i32
      %dma_wait3A_16 = arith.constant 0 : i32
      %dma_wait3A_17 = tpu.memref_slice %arg9[%dma_wait3A, %dma_wait3A_16] : memref<80x128xf32, #tpu.memory_space<vmem_shared>> -> memref<80x128xf32, #tpu.memory_space<vmem_shared>>
      tpu.wait_indirect_dma semaphore(%run_scoped3A : memref<!tpu.dma_semaphore, #tpu.memory_space<semaphore_mem>>) src(%arg7 : memref<80x128xf32, #tpu.memory_space<vmem>>) dst(%dma_wait3A_17 : memref<80x128xf32, #tpu.memory_space<vmem_shared>>)
      tpu.yield
    }) : () -> ()
    %barrier3A_9 = arith.constant 0 : index
    tpu.barrier barrier_id(%barrier3A_9)
    %lt3A = arith.constant 10 : i32
    %lt3A_10 = arith.cmpi slt, %arg1, %lt3A : i32
    %convert_element_type3A_11 = arith.extui %lt3A_10 : i1 to i32
    %cond3A_12 = arith.constant 0 : i32
    %cond3A_13 = arith.cmpi ne, %convert_element_type3A_11, %cond3A_12 : i32
    scf.if %cond3A_13 {
      %mul3A_14 = arith.constant 8 : i32
      %mul3A_15 = arith.muli %arg1, %mul3A_14 : i32
      "tpu.region"() ({
        %run_scoped3A = tpu.sem_alloc : memref<!tpu.dma_semaphore, #tpu.memory_space<semaphore_mem>>
        %dma_start3A = arith.constant 0 : i32
        %dma_start3A_18 = arith.constant 0 : i32
        %dma_start3A_19 = tpu.memref_slice %arg7[%dma_start3A, %dma_start3A_18] : memref<80x128xf32, #tpu.memory_space<vmem>> -> memref<8x128xf32, #tpu.memory_space<vmem>>
        %dma_start3A_20 = arith.constant 0 : i32
        %dma_start3A_21 = tpu.memref_slice %arg9[%mul3A_15, %dma_start3A_20] : memref<80x128xf32, #tpu.memory_space<vmem_shared>> -> memref<8x128xf32, #tpu.memory_space<vmem_shared>>
        %dma_start3A_22 = arith.constant 0 : i32
        %dma_start3A_23 = arith.constant 0 : i32
        %dma_start3A_24 = tpu.memref_slice %arg7[%dma_start3A_22, %dma_start3A_23] : memref<80x128xf32, #tpu.memory_space<vmem>> -> memref<8x128xf32, #tpu.memory_space<vmem>>
        %dma_start3A_25 = arith.constant 0 : i32
        %dma_start3A_26 = tpu.memref_slice %arg9[%mul3A_15, %dma_start3A_25] : memref<80x128xf32, #tpu.memory_space<vmem_shared>> -> memref<8x128xf32, #tpu.memory_space<vmem_shared>>
        tpu.enqueue_dma source(%dma_start3A_26 : memref<8x128xf32, #tpu.memory_space<vmem_shared>>) target(%dma_start3A_24 : memref<8x128xf32, #tpu.memory_space<vmem>>) target_semaphore(%run_scoped3A : memref<!tpu.dma_semaphore, #tpu.memory_space<semaphore_mem>>)
        %dma_wait3A = arith.constant 0 : i32
        %dma_wait3A_27 = arith.constant 0 : i32
        %dma_wait3A_28 = tpu.memref_slice %arg7[%dma_wait3A, %dma_wait3A_27] : memref<80x128xf32, #tpu.memory_space<vmem>> -> memref<8x128xf32, #tpu.memory_space<vmem>>
        %dma_wait3A_29 = arith.constant 0 : i32
        %dma_wait3A_30 = tpu.memref_slice %arg9[%mul3A_15, %dma_wait3A_29] : memref<80x128xf32, #tpu.memory_space<vmem_shared>> -> memref<8x128xf32, #tpu.memory_space<vmem_shared>>
        %dma_wait3A_31 = arith.constant 0 : i32
        %dma_wait3A_32 = arith.constant 0 : i32
        %dma_wait3A_33 = tpu.memref_slice %arg7[%dma_wait3A_31, %dma_wait3A_32] : memref<80x128xf32, #tpu.memory_space<vmem>> -> memref<8x128xf32, #tpu.memory_space<vmem>>
        %dma_wait3A_34 = arith.constant 0 : i32
        %dma_wait3A_35 = tpu.memref_slice %arg9[%mul3A_15, %dma_wait3A_34] : memref<80x128xf32, #tpu.memory_space<vmem_shared>> -> memref<8x128xf32, #tpu.memory_space<vmem_shared>>
        tpu.wait_dma2 semaphore(%run_scoped3A : memref<!tpu.dma_semaphore, #tpu.memory_space<semaphore_mem>>) src(%dma_wait3A_35 : memref<8x128xf32, #tpu.memory_space<vmem_shared>>) dst(%dma_wait3A_33 : memref<8x128xf32, #tpu.memory_space<vmem>>)
        tpu.yield
      }) : () -> ()
      %mul3A_16 = arith.constant 8 : i32
      %mul3A_17 = arith.muli %arg1, %mul3A_16 : i32
      "tpu.region"() ({
        %run_scoped3A = tpu.sem_alloc : memref<!tpu.dma_semaphore, #tpu.memory_space<semaphore_mem>>
        %dma_start3A = arith.constant 0 : i32
        %dma_start3A_18 = arith.constant 0 : i32
        %dma_start3A_19 = tpu.memref_slice %arg7[%dma_start3A, %dma_start3A_18] : memref<80x128xf32, #tpu.memory_space<vmem>> -> memref<8x128xf32, #tpu.memory_space<vmem>>
        %dma_start3A_20 = arith.constant 0 : i32
        %dma_start3A_21 = arith.constant 0 : i32
        %dma_start3A_22 = tpu.memref_slice %arg5[%arg0, %dma_start3A_20, %dma_start3A_21] : memref<2x80x128xf32, #tpu.memory_space<hbm>> -> memref<1x80x128xf32, #tpu.memory_space<hbm>>
        %dma_start3A_23 = tpu.memref_squeeze %dma_start3A_22 : memref<1x80x128xf32, #tpu.memory_space<hbm>> -> memref<80x128xf32, #tpu.memory_space<hbm>>
        %dma_start3A_24 = arith.constant 0 : i32
        %dma_start3A_25 = tpu.memref_slice %dma_start3A_23[%mul3A_17, %dma_start3A_24] : memref<80x128xf32, #tpu.memory_space<hbm>> -> memref<8x128xf32, #tpu.memory_space<hbm>>
        %dma_start3A_26 = arith.constant 0 : i32
        %dma_start3A_27 = arith.constant 0 : i32
        %dma_start3A_28 = tpu.memref_slice %arg5[%arg0, %dma_start3A_26, %dma_start3A_27] : memref<2x80x128xf32, #tpu.memory_space<hbm>> -> memref<1x80x128xf32, #tpu.memory_space<hbm>>
        %dma_start3A_29 = tpu.memref_squeeze %dma_start3A_28 : memref<1x80x128xf32, #tpu.memory_space<hbm>> -> memref<80x128xf32, #tpu.memory_space<hbm>>
        %dma_start3A_30 = arith.constant 0 : i32
        %dma_start3A_31 = tpu.memref_slice %dma_start3A_29[%mul3A_17, %dma_start3A_30] : memref<80x128xf32, #tpu.memory_space<hbm>> -> memref<8x128xf32, #tpu.memory_space<hbm>>
        %dma_start3A_32 = arith.constant 0 : i32
        %dma_start3A_33 = arith.constant 0 : i32
        %dma_start3A_34 = tpu.memref_slice %arg7[%dma_start3A_32, %dma_start3A_33] : memref<80x128xf32, #tpu.memory_space<vmem>> -> memref<8x128xf32, #tpu.memory_space<vmem>>
        tpu.enqueue_dma source(%dma_start3A_34 : memref<8x128xf32, #tpu.memory_space<vmem>>) target(%dma_start3A_31 : memref<8x128xf32, #tpu.memory_space<hbm>>) target_semaphore(%run_scoped3A : memref<!tpu.dma_semaphore, #tpu.memory_space<semaphore_mem>>)
        %dma_wait3A = arith.constant 0 : i32
        %dma_wait3A_35 = arith.constant 0 : i32
        %dma_wait3A_36 = tpu.memref_slice %arg7[%dma_wait3A, %dma_wait3A_35] : memref<80x128xf32, #tpu.memory_space<vmem>> -> memref<8x128xf32, #tpu.memory_space<vmem>>
        %dma_wait3A_37 = arith.constant 0 : i32
        %dma_wait3A_38 = arith.constant 0 : i32
        %dma_wait3A_39 = tpu.memref_slice %arg5[%arg0, %dma_wait3A_37, %dma_wait3A_38] : memref<2x80x128xf32, #tpu.memory_space<hbm>> -> memref<1x80x128xf32, #tpu.memory_space<hbm>>
        %dma_wait3A_40 = tpu.memref_squeeze %dma_wait3A_39 : memref<1x80x128xf32, #tpu.memory_space<hbm>> -> memref<80x128xf32, #tpu.memory_space<hbm>>
        %dma_wait3A_41 = arith.constant 0 : i32
        %dma_wait3A_42 = tpu.memref_slice %dma_wait3A_40[%mul3A_17, %dma_wait3A_41] : memref<80x128xf32, #tpu.memory_space<hbm>> -> memref<8x128xf32, #tpu.memory_space<hbm>>
        %dma_wait3A_43 = arith.constant 0 : i32
        %dma_wait3A_44 = arith.constant 0 : i32
        %dma_wait3A_45 = tpu.memref_slice %arg5[%arg0, %dma_wait3A_43, %dma_wait3A_44] : memref<2x80x128xf32, #tpu.memory_space<hbm>> -> memref<1x80x128xf32, #tpu.memory_space<hbm>>
        %dma_wait3A_46 = tpu.memref_squeeze %dma_wait3A_45 : memref<1x80x128xf32, #tpu.memory_space<hbm>> -> memref<80x128xf32, #tpu.memory_space<hbm>>
        %dma_wait3A_47 = arith.constant 0 : i32
        %dma_wait3A_48 = tpu.memref_slice %dma_wait3A_46[%mul3A_17, %dma_wait3A_47] : memref<80x128xf32, #tpu.memory_space<hbm>> -> memref<8x128xf32, #tpu.memory_space<hbm>>
        %dma_wait3A_49 = arith.constant 0 : i32
        %dma_wait3A_50 = arith.constant 0 : i32
        %dma_wait3A_51 = tpu.memref_slice %arg7[%dma_wait3A_49, %dma_wait3A_50] : memref<80x128xf32, #tpu.memory_space<vmem>> -> memref<8x128xf32, #tpu.memory_space<vmem>>
        tpu.wait_dma2 semaphore(%run_scoped3A : memref<!tpu.dma_semaphore, #tpu.memory_space<semaphore_mem>>) src(%dma_wait3A_51 : memref<8x128xf32, #tpu.memory_space<vmem>>) dst(%dma_wait3A_48 : memref<8x128xf32, #tpu.memory_space<hbm>>)
        tpu.yield
      }) : () -> ()
    } else {
    }
    return
  }
}

#map = affine_map<(d0, d1) -> (0, 0)>
#map1 = affine_map<(d0, d1) -> (0, 0, 0)>
module attributes {stable_mosaic.version = 14 : i64} {
  func.func @_agg_body(%arg0: i32, %arg1: i32, %arg2: memref<10240x64xf32, #tpu.memory_space<hbm>>, %arg3: memref<16x160x64xi32, #tpu.memory_space<hbm>>, %arg4: memref<16x160x64xi32, #tpu.memory_space<hbm>>, %arg5: memref<16x160x64xi32, #tpu.memory_space<hbm>>, %arg6: memref<16x160x64xi32, #tpu.memory_space<hbm>>, %arg7: memref<640x64xf32, #tpu.memory_space<hbm>>, %arg8: memref<2x10240x64xf32, #tpu.memory_space<hbm>>, %arg9: memref<160x64xi32, #tpu.memory_space<vmem>>, %arg10: memref<160x64xi32, #tpu.memory_space<vmem>>, %arg11: memref<64x64xf32, #tpu.memory_space<vmem>>, %arg12: memref<64x64xf32, #tpu.memory_space<vmem>>, %arg13: memref<10240x64xf32, #tpu.memory_space<vmem_shared>>, %arg14: memref<10240x64xf32, #tpu.memory_space<vmem_shared>>, %arg15: memref<!tpu.dma_semaphore, #tpu.memory_space<semaphore_mem>>, %arg16: memref<!tpu.dma_semaphore, #tpu.memory_space<semaphore_mem>>) attributes {dimension_semantics = [#tpu.dimension_semantics<core_parallel>, #tpu.dimension_semantics<subcore_parallel>], iteration_bounds = array<i64: 2, 16>, scalar_prefetch = 0 : i64, scratch_operands = 8 : i64, tpu.core_type = #tpu.core_type<sc_vector_subcore>, window_params = [{transform_indices = #map}, {transform_indices = #map1}, {transform_indices = #map1}, {transform_indices = #map1}, {transform_indices = #map1}, {transform_indices = #map}, {transform_indices = #map1}]} {
    %mul3A = arith.constant 640 : i32
    %mul3A_0 = arith.muli %arg1, %mul3A : i32
    "tpu.region"() ({
      %run_scoped3A = tpu.sem_alloc : memref<!tpu.dma_semaphore, #tpu.memory_space<semaphore_mem>>
      %dma_start3A = arith.constant 0 : i32
      %dma_start3A_17 = tpu.memref_slice %arg13[%mul3A_0, %dma_start3A] : memref<10240x64xf32, #tpu.memory_space<vmem_shared>> -> memref<640x64xf32, #tpu.memory_space<vmem_shared>>
      tpu.enqueue_dma source(%arg7 : memref<640x64xf32, #tpu.memory_space<hbm>>) target(%dma_start3A_17 : memref<640x64xf32, #tpu.memory_space<vmem_shared>>) target_semaphore(%run_scoped3A : memref<!tpu.dma_semaphore, #tpu.memory_space<semaphore_mem>>)
      %dma_wait3A = arith.constant 0 : i32
      %dma_wait3A_18 = tpu.memref_slice %arg13[%mul3A_0, %dma_wait3A] : memref<10240x64xf32, #tpu.memory_space<vmem_shared>> -> memref<640x64xf32, #tpu.memory_space<vmem_shared>>
      tpu.wait_dma2 semaphore(%run_scoped3A : memref<!tpu.dma_semaphore, #tpu.memory_space<semaphore_mem>>) src(%arg7 : memref<640x64xf32, #tpu.memory_space<hbm>>) dst(%dma_wait3A_18 : memref<640x64xf32, #tpu.memory_space<vmem_shared>>)
      tpu.yield
    }) : () -> ()
    %mul3A_1 = arith.constant 640 : i32
    %mul3A_2 = arith.muli %arg1, %mul3A_1 : i32
    %mul3A_3 = arith.constant 640 : i32
    %mul3A_4 = arith.muli %arg1, %mul3A_3 : i32
    "tpu.region"() ({
      %run_scoped3A = tpu.sem_alloc : memref<!tpu.dma_semaphore, #tpu.memory_space<semaphore_mem>>
      %dma_start3A = arith.constant 0 : i32
      %dma_start3A_17 = tpu.memref_slice %arg14[%mul3A_4, %dma_start3A] : memref<10240x64xf32, #tpu.memory_space<vmem_shared>> -> memref<640x64xf32, #tpu.memory_space<vmem_shared>>
      %dma_start3A_18 = arith.constant 0 : i32
      %dma_start3A_19 = tpu.memref_slice %arg2[%mul3A_2, %dma_start3A_18] : memref<10240x64xf32, #tpu.memory_space<hbm>> -> memref<640x64xf32, #tpu.memory_space<hbm>>
      tpu.enqueue_dma source(%dma_start3A_19 : memref<640x64xf32, #tpu.memory_space<hbm>>) target(%dma_start3A_17 : memref<640x64xf32, #tpu.memory_space<vmem_shared>>) target_semaphore(%run_scoped3A : memref<!tpu.dma_semaphore, #tpu.memory_space<semaphore_mem>>)
      %dma_wait3A = arith.constant 0 : i32
      %dma_wait3A_20 = tpu.memref_slice %arg14[%mul3A_4, %dma_wait3A] : memref<10240x64xf32, #tpu.memory_space<vmem_shared>> -> memref<640x64xf32, #tpu.memory_space<vmem_shared>>
      %dma_wait3A_21 = arith.constant 0 : i32
      %dma_wait3A_22 = tpu.memref_slice %arg2[%mul3A_2, %dma_wait3A_21] : memref<10240x64xf32, #tpu.memory_space<hbm>> -> memref<640x64xf32, #tpu.memory_space<hbm>>
      tpu.wait_dma2 semaphore(%run_scoped3A : memref<!tpu.dma_semaphore, #tpu.memory_space<semaphore_mem>>) src(%dma_wait3A_22 : memref<640x64xf32, #tpu.memory_space<hbm>>) dst(%dma_wait3A_20 : memref<640x64xf32, #tpu.memory_space<vmem_shared>>)
      tpu.yield
    }) : () -> ()
    %barrier3A = arith.constant 0 : index
    tpu.barrier barrier_id(%barrier3A)
    %eq3A = arith.constant 0 : i32
    %eq3A_5 = arith.cmpi eq, %arg0, %eq3A : i32
    %convert_element_type3A = arith.extui %eq3A_5 : i1 to i32
    %cond3A = arith.constant 0 : i32
    %cond3A_6 = arith.cmpi ne, %convert_element_type3A, %cond3A : i32
    scf.if %cond3A_6 {
      "tpu.region"() ({
        %run_scoped3A = tpu.sem_alloc : memref<!tpu.dma_semaphore, #tpu.memory_space<semaphore_mem>>
        %dma_start3A_28 = arith.constant 0 : i32
        %dma_start3A_29 = arith.constant 0 : i32
        %dma_start3A_30 = tpu.memref_slice %arg9[%dma_start3A_28, %dma_start3A_29] : memref<160x64xi32, #tpu.memory_space<vmem>> -> memref<160x64xi32, #tpu.memory_space<vmem>>
        %dma_start3A_31 = arith.constant 0 : i32
        %dma_start3A_32 = arith.constant 0 : i32
        %dma_start3A_33 = tpu.memref_slice %arg3[%arg1, %dma_start3A_31, %dma_start3A_32] : memref<16x160x64xi32, #tpu.memory_space<hbm>> -> memref<1x160x64xi32, #tpu.memory_space<hbm>>
        %dma_start3A_34 = tpu.memref_squeeze %dma_start3A_33 : memref<1x160x64xi32, #tpu.memory_space<hbm>> -> memref<160x64xi32, #tpu.memory_space<hbm>>
        %dma_start3A_35 = arith.constant 0 : i32
        %dma_start3A_36 = arith.constant 0 : i32
        %dma_start3A_37 = tpu.memref_slice %arg9[%dma_start3A_35, %dma_start3A_36] : memref<160x64xi32, #tpu.memory_space<vmem>> -> memref<160x64xi32, #tpu.memory_space<vmem>>
        %dma_start3A_38 = arith.constant 0 : i32
        %dma_start3A_39 = arith.constant 0 : i32
        %dma_start3A_40 = tpu.memref_slice %arg3[%arg1, %dma_start3A_38, %dma_start3A_39] : memref<16x160x64xi32, #tpu.memory_space<hbm>> -> memref<1x160x64xi32, #tpu.memory_space<hbm>>
        %dma_start3A_41 = tpu.memref_squeeze %dma_start3A_40 : memref<1x160x64xi32, #tpu.memory_space<hbm>> -> memref<160x64xi32, #tpu.memory_space<hbm>>
        tpu.enqueue_dma source(%dma_start3A_41 : memref<160x64xi32, #tpu.memory_space<hbm>>) target(%dma_start3A_37 : memref<160x64xi32, #tpu.memory_space<vmem>>) target_semaphore(%run_scoped3A : memref<!tpu.dma_semaphore, #tpu.memory_space<semaphore_mem>>)
        %dma_wait3A = arith.constant 0 : i32
        %dma_wait3A_42 = arith.constant 0 : i32
        %dma_wait3A_43 = tpu.memref_slice %arg9[%dma_wait3A, %dma_wait3A_42] : memref<160x64xi32, #tpu.memory_space<vmem>> -> memref<160x64xi32, #tpu.memory_space<vmem>>
        %dma_wait3A_44 = arith.constant 0 : i32
        %dma_wait3A_45 = arith.constant 0 : i32
        %dma_wait3A_46 = tpu.memref_slice %arg3[%arg1, %dma_wait3A_44, %dma_wait3A_45] : memref<16x160x64xi32, #tpu.memory_space<hbm>> -> memref<1x160x64xi32, #tpu.memory_space<hbm>>
        %dma_wait3A_47 = tpu.memref_squeeze %dma_wait3A_46 : memref<1x160x64xi32, #tpu.memory_space<hbm>> -> memref<160x64xi32, #tpu.memory_space<hbm>>
        %dma_wait3A_48 = arith.constant 0 : i32
        %dma_wait3A_49 = arith.constant 0 : i32
        %dma_wait3A_50 = tpu.memref_slice %arg9[%dma_wait3A_48, %dma_wait3A_49] : memref<160x64xi32, #tpu.memory_space<vmem>> -> memref<160x64xi32, #tpu.memory_space<vmem>>
        %dma_wait3A_51 = arith.constant 0 : i32
        %dma_wait3A_52 = arith.constant 0 : i32
        %dma_wait3A_53 = tpu.memref_slice %arg3[%arg1, %dma_wait3A_51, %dma_wait3A_52] : memref<16x160x64xi32, #tpu.memory_space<hbm>> -> memref<1x160x64xi32, #tpu.memory_space<hbm>>
        %dma_wait3A_54 = tpu.memref_squeeze %dma_wait3A_53 : memref<1x160x64xi32, #tpu.memory_space<hbm>> -> memref<160x64xi32, #tpu.memory_space<hbm>>
        tpu.wait_dma2 semaphore(%run_scoped3A : memref<!tpu.dma_semaphore, #tpu.memory_space<semaphore_mem>>) src(%dma_wait3A_54 : memref<160x64xi32, #tpu.memory_space<hbm>>) dst(%dma_wait3A_50 : memref<160x64xi32, #tpu.memory_space<vmem>>)
        tpu.yield
      }) : () -> ()
      "tpu.region"() ({
        %run_scoped3A = tpu.sem_alloc : memref<!tpu.dma_semaphore, #tpu.memory_space<semaphore_mem>>
        %dma_start3A_28 = arith.constant 0 : i32
        %dma_start3A_29 = arith.constant 0 : i32
        %dma_start3A_30 = tpu.memref_slice %arg10[%dma_start3A_28, %dma_start3A_29] : memref<160x64xi32, #tpu.memory_space<vmem>> -> memref<160x64xi32, #tpu.memory_space<vmem>>
        %dma_start3A_31 = arith.constant 0 : i32
        %dma_start3A_32 = arith.constant 0 : i32
        %dma_start3A_33 = tpu.memref_slice %arg4[%arg1, %dma_start3A_31, %dma_start3A_32] : memref<16x160x64xi32, #tpu.memory_space<hbm>> -> memref<1x160x64xi32, #tpu.memory_space<hbm>>
        %dma_start3A_34 = tpu.memref_squeeze %dma_start3A_33 : memref<1x160x64xi32, #tpu.memory_space<hbm>> -> memref<160x64xi32, #tpu.memory_space<hbm>>
        %dma_start3A_35 = arith.constant 0 : i32
        %dma_start3A_36 = arith.constant 0 : i32
        %dma_start3A_37 = tpu.memref_slice %arg10[%dma_start3A_35, %dma_start3A_36] : memref<160x64xi32, #tpu.memory_space<vmem>> -> memref<160x64xi32, #tpu.memory_space<vmem>>
        %dma_start3A_38 = arith.constant 0 : i32
        %dma_start3A_39 = arith.constant 0 : i32
        %dma_start3A_40 = tpu.memref_slice %arg4[%arg1, %dma_start3A_38, %dma_start3A_39] : memref<16x160x64xi32, #tpu.memory_space<hbm>> -> memref<1x160x64xi32, #tpu.memory_space<hbm>>
        %dma_start3A_41 = tpu.memref_squeeze %dma_start3A_40 : memref<1x160x64xi32, #tpu.memory_space<hbm>> -> memref<160x64xi32, #tpu.memory_space<hbm>>
        tpu.enqueue_dma source(%dma_start3A_41 : memref<160x64xi32, #tpu.memory_space<hbm>>) target(%dma_start3A_37 : memref<160x64xi32, #tpu.memory_space<vmem>>) target_semaphore(%run_scoped3A : memref<!tpu.dma_semaphore, #tpu.memory_space<semaphore_mem>>)
        %dma_wait3A = arith.constant 0 : i32
        %dma_wait3A_42 = arith.constant 0 : i32
        %dma_wait3A_43 = tpu.memref_slice %arg10[%dma_wait3A, %dma_wait3A_42] : memref<160x64xi32, #tpu.memory_space<vmem>> -> memref<160x64xi32, #tpu.memory_space<vmem>>
        %dma_wait3A_44 = arith.constant 0 : i32
        %dma_wait3A_45 = arith.constant 0 : i32
        %dma_wait3A_46 = tpu.memref_slice %arg4[%arg1, %dma_wait3A_44, %dma_wait3A_45] : memref<16x160x64xi32, #tpu.memory_space<hbm>> -> memref<1x160x64xi32, #tpu.memory_space<hbm>>
        %dma_wait3A_47 = tpu.memref_squeeze %dma_wait3A_46 : memref<1x160x64xi32, #tpu.memory_space<hbm>> -> memref<160x64xi32, #tpu.memory_space<hbm>>
        %dma_wait3A_48 = arith.constant 0 : i32
        %dma_wait3A_49 = arith.constant 0 : i32
        %dma_wait3A_50 = tpu.memref_slice %arg10[%dma_wait3A_48, %dma_wait3A_49] : memref<160x64xi32, #tpu.memory_space<vmem>> -> memref<160x64xi32, #tpu.memory_space<vmem>>
        %dma_wait3A_51 = arith.constant 0 : i32
        %dma_wait3A_52 = arith.constant 0 : i32
        %dma_wait3A_53 = tpu.memref_slice %arg4[%arg1, %dma_wait3A_51, %dma_wait3A_52] : memref<16x160x64xi32, #tpu.memory_space<hbm>> -> memref<1x160x64xi32, #tpu.memory_space<hbm>>
        %dma_wait3A_54 = tpu.memref_squeeze %dma_wait3A_53 : memref<1x160x64xi32, #tpu.memory_space<hbm>> -> memref<160x64xi32, #tpu.memory_space<hbm>>
        tpu.wait_dma2 semaphore(%run_scoped3A : memref<!tpu.dma_semaphore, #tpu.memory_space<semaphore_mem>>) src(%dma_wait3A_54 : memref<160x64xi32, #tpu.memory_space<hbm>>) dst(%dma_wait3A_50 : memref<160x64xi32, #tpu.memory_space<vmem>>)
        tpu.yield
      }) : () -> ()
      %dma_start3A = arith.constant 0 : i32
      %dma_start3A_17 = arith.constant 0 : i32
      %dma_start3A_18 = tpu.memref_slice %arg9[%dma_start3A, %dma_start3A_17] : memref<160x64xi32, #tpu.memory_space<vmem>> -> memref<1x64xi32, #tpu.memory_space<vmem>>
      %dma_start3A_19 = tpu.memref_squeeze %dma_start3A_18 : memref<1x64xi32, #tpu.memory_space<vmem>> -> memref<64xi32, #tpu.memory_space<vmem>>
      %dma_start3A_20 = arith.constant 0 : i32
      %dma_start3A_21 = arith.constant 0 : i32
      %dma_start3A_22 = tpu.memref_slice %arg14[%dma_start3A_20, %dma_start3A_21] : memref<10240x64xf32, #tpu.memory_space<vmem_shared>> -> memref<10240x64xf32, #tpu.memory_space<vmem_shared>>
      tpu.enqueue_indirect_dma source(%dma_start3A_22 : memref<10240x64xf32, #tpu.memory_space<vmem_shared>>) target(%arg11 : memref<64x64xf32, #tpu.memory_space<vmem>>) offsets(%dma_start3A_19 : memref<64xi32, #tpu.memory_space<vmem>>) semaphore(%arg15 : memref<!tpu.dma_semaphore, #tpu.memory_space<semaphore_mem>>)
      %scan3A = arith.constant 0 : i32
      %scan3A_23 = arith.constant 0 : i32
      %scan3A_24 = arith.constant 80 : i32
      %scan3A_25 = arith.addi %scan3A_23, %scan3A_24 : i32
      %scan3A_26 = arith.constant 1 : i32
      scf.for %scan3A_28 = %scan3A_23 to %scan3A_25 step %scan3A_26  : i32 {
        %mul3A_29 = arith.constant 2 : i32
        %mul3A_30 = arith.muli %mul3A_29, %scan3A_28 : i32
        %add3A = arith.constant 0 : i32
        %add3A_31 = arith.addi %mul3A_30, %add3A : i32
        %add3A_32 = arith.constant 1 : i32
        %add3A_33 = arith.addi %add3A_31, %add3A_32 : i32
        %lt3A = arith.constant 160 : i32
        %lt3A_34 = arith.cmpi slt, %add3A_33, %lt3A : i32
        %convert_element_type3A_35 = arith.extui %lt3A_34 : i1 to i32
        %cond3A_36 = arith.constant 0 : i32
        %cond3A_37 = arith.cmpi ne, %convert_element_type3A_35, %cond3A_36 : i32
        scf.if %cond3A_37 {
          %add3A_60 = arith.constant 1 : i32
          %add3A_61 = arith.addi %add3A_31, %add3A_60 : i32
          %dma_start3A_62 = arith.constant 0 : i32
          %dma_start3A_63 = tpu.memref_slice %arg9[%add3A_61, %dma_start3A_62] : memref<160x64xi32, #tpu.memory_space<vmem>> -> memref<1x64xi32, #tpu.memory_space<vmem>>
          %dma_start3A_64 = tpu.memref_squeeze %dma_start3A_63 : memref<1x64xi32, #tpu.memory_space<vmem>> -> memref<64xi32, #tpu.memory_space<vmem>>
          %dma_start3A_65 = arith.constant 0 : i32
          %dma_start3A_66 = arith.constant 0 : i32
          %dma_start3A_67 = tpu.memref_slice %arg14[%dma_start3A_65, %dma_start3A_66] : memref<10240x64xf32, #tpu.memory_space<vmem_shared>> -> memref<10240x64xf32, #tpu.memory_space<vmem_shared>>
          tpu.enqueue_indirect_dma source(%dma_start3A_67 : memref<10240x64xf32, #tpu.memory_space<vmem_shared>>) target(%arg12 : memref<64x64xf32, #tpu.memory_space<vmem>>) offsets(%dma_start3A_64 : memref<64xi32, #tpu.memory_space<vmem>>) semaphore(%arg16 : memref<!tpu.dma_semaphore, #tpu.memory_space<semaphore_mem>>)
        } else {
        }
        %dma_wait3A = arith.constant 0 : i32
        %dma_wait3A_38 = tpu.memref_slice %arg9[%add3A_31, %dma_wait3A] : memref<160x64xi32, #tpu.memory_space<vmem>> -> memref<1x64xi32, #tpu.memory_space<vmem>>
        %dma_wait3A_39 = tpu.memref_squeeze %dma_wait3A_38 : memref<1x64xi32, #tpu.memory_space<vmem>> -> memref<64xi32, #tpu.memory_space<vmem>>
        %dma_wait3A_40 = arith.constant 0 : i32
        %dma_wait3A_41 = arith.constant 0 : i32
        %dma_wait3A_42 = tpu.memref_slice %arg14[%dma_wait3A_40, %dma_wait3A_41] : memref<10240x64xf32, #tpu.memory_space<vmem_shared>> -> memref<10240x64xf32, #tpu.memory_space<vmem_shared>>
        tpu.wait_indirect_dma semaphore(%arg15 : memref<!tpu.dma_semaphore, #tpu.memory_space<semaphore_mem>>) src(%dma_wait3A_42 : memref<10240x64xf32, #tpu.memory_space<vmem_shared>>) dst(%arg11 : memref<64x64xf32, #tpu.memory_space<vmem>>)
        "tpu.region"() ({
          %run_scoped3A = tpu.sem_alloc : memref<!tpu.dma_semaphore, #tpu.memory_space<semaphore_mem>>
          %dma_start3A_60 = arith.constant 0 : i32
          %dma_start3A_61 = tpu.memref_slice %arg10[%add3A_31, %dma_start3A_60] : memref<160x64xi32, #tpu.memory_space<vmem>> -> memref<1x64xi32, #tpu.memory_space<vmem>>
          %dma_start3A_62 = tpu.memref_squeeze %dma_start3A_61 : memref<1x64xi32, #tpu.memory_space<vmem>> -> memref<64xi32, #tpu.memory_space<vmem>>
          %dma_start3A_63 = arith.constant 0 : i32
          %dma_start3A_64 = arith.constant 0 : i32
          %dma_start3A_65 = tpu.memref_slice %arg13[%dma_start3A_63, %dma_start3A_64] : memref<10240x64xf32, #tpu.memory_space<vmem_shared>> -> memref<10240x64xf32, #tpu.memory_space<vmem_shared>>
          tpu.enqueue_indirect_dma source(%arg11 : memref<64x64xf32, #tpu.memory_space<vmem>>) target(%dma_start3A_65 : memref<10240x64xf32, #tpu.memory_space<vmem_shared>>) offsets(%dma_start3A_62 : memref<64xi32, #tpu.memory_space<vmem>>) semaphore(%run_scoped3A : memref<!tpu.dma_semaphore, #tpu.memory_space<semaphore_mem>>) {add = true}
          %dma_wait3A_66 = arith.constant 0 : i32
          %dma_wait3A_67 = tpu.memref_slice %arg10[%add3A_31, %dma_wait3A_66] : memref<160x64xi32, #tpu.memory_space<vmem>> -> memref<1x64xi32, #tpu.memory_space<vmem>>
          %dma_wait3A_68 = tpu.memref_squeeze %dma_wait3A_67 : memref<1x64xi32, #tpu.memory_space<vmem>> -> memref<64xi32, #tpu.memory_space<vmem>>
          %dma_wait3A_69 = arith.constant 0 : i32
          %dma_wait3A_70 = arith.constant 0 : i32
          %dma_wait3A_71 = tpu.memref_slice %arg13[%dma_wait3A_69, %dma_wait3A_70] : memref<10240x64xf32, #tpu.memory_space<vmem_shared>> -> memref<10240x64xf32, #tpu.memory_space<vmem_shared>>
          tpu.wait_indirect_dma semaphore(%run_scoped3A : memref<!tpu.dma_semaphore, #tpu.memory_space<semaphore_mem>>) src(%arg11 : memref<64x64xf32, #tpu.memory_space<vmem>>) dst(%dma_wait3A_71 : memref<10240x64xf32, #tpu.memory_space<vmem_shared>>)
          tpu.yield
        }) : () -> ()
        %mul3A_43 = arith.constant 2 : i32
        %mul3A_44 = arith.muli %mul3A_43, %scan3A_28 : i32
        %add3A_45 = arith.constant 1 : i32
        %add3A_46 = arith.addi %mul3A_44, %add3A_45 : i32
        %add3A_47 = arith.constant 1 : i32
        %add3A_48 = arith.addi %add3A_46, %add3A_47 : i32
        %lt3A_49 = arith.constant 160 : i32
        %lt3A_50 = arith.cmpi slt, %add3A_48, %lt3A_49 : i32
        %convert_element_type3A_51 = arith.extui %lt3A_50 : i1 to i32
        %cond3A_52 = arith.constant 0 : i32
        %cond3A_53 = arith.cmpi ne, %convert_element_type3A_51, %cond3A_52 : i32
        scf.if %cond3A_53 {
          %add3A_60 = arith.constant 1 : i32
          %add3A_61 = arith.addi %add3A_46, %add3A_60 : i32
          %dma_start3A_62 = arith.constant 0 : i32
          %dma_start3A_63 = tpu.memref_slice %arg9[%add3A_61, %dma_start3A_62] : memref<160x64xi32, #tpu.memory_space<vmem>> -> memref<1x64xi32, #tpu.memory_space<vmem>>
          %dma_start3A_64 = tpu.memref_squeeze %dma_start3A_63 : memref<1x64xi32, #tpu.memory_space<vmem>> -> memref<64xi32, #tpu.memory_space<vmem>>
          %dma_start3A_65 = arith.constant 0 : i32
          %dma_start3A_66 = arith.constant 0 : i32
          %dma_start3A_67 = tpu.memref_slice %arg14[%dma_start3A_65, %dma_start3A_66] : memref<10240x64xf32, #tpu.memory_space<vmem_shared>> -> memref<10240x64xf32, #tpu.memory_space<vmem_shared>>
          tpu.enqueue_indirect_dma source(%dma_start3A_67 : memref<10240x64xf32, #tpu.memory_space<vmem_shared>>) target(%arg11 : memref<64x64xf32, #tpu.memory_space<vmem>>) offsets(%dma_start3A_64 : memref<64xi32, #tpu.memory_space<vmem>>) semaphore(%arg15 : memref<!tpu.dma_semaphore, #tpu.memory_space<semaphore_mem>>)
        } else {
        }
        %dma_wait3A_54 = arith.constant 0 : i32
        %dma_wait3A_55 = tpu.memref_slice %arg9[%add3A_46, %dma_wait3A_54] : memref<160x64xi32, #tpu.memory_space<vmem>> -> memref<1x64xi32, #tpu.memory_space<vmem>>
        %dma_wait3A_56 = tpu.memref_squeeze %dma_wait3A_55 : memref<1x64xi32, #tpu.memory_space<vmem>> -> memref<64xi32, #tpu.memory_space<vmem>>
        %dma_wait3A_57 = arith.constant 0 : i32
        %dma_wait3A_58 = arith.constant 0 : i32
        %dma_wait3A_59 = tpu.memref_slice %arg14[%dma_wait3A_57, %dma_wait3A_58] : memref<10240x64xf32, #tpu.memory_space<vmem_shared>> -> memref<10240x64xf32, #tpu.memory_space<vmem_shared>>
        tpu.wait_indirect_dma semaphore(%arg16 : memref<!tpu.dma_semaphore, #tpu.memory_space<semaphore_mem>>) src(%dma_wait3A_59 : memref<10240x64xf32, #tpu.memory_space<vmem_shared>>) dst(%arg12 : memref<64x64xf32, #tpu.memory_space<vmem>>)
        "tpu.region"() ({
          %run_scoped3A = tpu.sem_alloc : memref<!tpu.dma_semaphore, #tpu.memory_space<semaphore_mem>>
          %dma_start3A_60 = arith.constant 0 : i32
          %dma_start3A_61 = tpu.memref_slice %arg10[%add3A_46, %dma_start3A_60] : memref<160x64xi32, #tpu.memory_space<vmem>> -> memref<1x64xi32, #tpu.memory_space<vmem>>
          %dma_start3A_62 = tpu.memref_squeeze %dma_start3A_61 : memref<1x64xi32, #tpu.memory_space<vmem>> -> memref<64xi32, #tpu.memory_space<vmem>>
          %dma_start3A_63 = arith.constant 0 : i32
          %dma_start3A_64 = arith.constant 0 : i32
          %dma_start3A_65 = tpu.memref_slice %arg13[%dma_start3A_63, %dma_start3A_64] : memref<10240x64xf32, #tpu.memory_space<vmem_shared>> -> memref<10240x64xf32, #tpu.memory_space<vmem_shared>>
          tpu.enqueue_indirect_dma source(%arg12 : memref<64x64xf32, #tpu.memory_space<vmem>>) target(%dma_start3A_65 : memref<10240x64xf32, #tpu.memory_space<vmem_shared>>) offsets(%dma_start3A_62 : memref<64xi32, #tpu.memory_space<vmem>>) semaphore(%run_scoped3A : memref<!tpu.dma_semaphore, #tpu.memory_space<semaphore_mem>>) {add = true}
          %dma_wait3A_66 = arith.constant 0 : i32
          %dma_wait3A_67 = tpu.memref_slice %arg10[%add3A_46, %dma_wait3A_66] : memref<160x64xi32, #tpu.memory_space<vmem>> -> memref<1x64xi32, #tpu.memory_space<vmem>>
          %dma_wait3A_68 = tpu.memref_squeeze %dma_wait3A_67 : memref<1x64xi32, #tpu.memory_space<vmem>> -> memref<64xi32, #tpu.memory_space<vmem>>
          %dma_wait3A_69 = arith.constant 0 : i32
          %dma_wait3A_70 = arith.constant 0 : i32
          %dma_wait3A_71 = tpu.memref_slice %arg13[%dma_wait3A_69, %dma_wait3A_70] : memref<10240x64xf32, #tpu.memory_space<vmem_shared>> -> memref<10240x64xf32, #tpu.memory_space<vmem_shared>>
          tpu.wait_indirect_dma semaphore(%run_scoped3A : memref<!tpu.dma_semaphore, #tpu.memory_space<semaphore_mem>>) src(%arg12 : memref<64x64xf32, #tpu.memory_space<vmem>>) dst(%dma_wait3A_71 : memref<10240x64xf32, #tpu.memory_space<vmem_shared>>)
          tpu.yield
        }) : () -> ()
      }
      %scan3A_27 = arith.constant 80 : i32
    } else {
    }
    %eq3A_7 = arith.constant 1 : i32
    %eq3A_8 = arith.cmpi eq, %arg0, %eq3A_7 : i32
    %convert_element_type3A_9 = arith.extui %eq3A_8 : i1 to i32
    %cond3A_10 = arith.constant 0 : i32
    %cond3A_11 = arith.cmpi ne, %convert_element_type3A_9, %cond3A_10 : i32
    scf.if %cond3A_11 {
      "tpu.region"() ({
        %run_scoped3A = tpu.sem_alloc : memref<!tpu.dma_semaphore, #tpu.memory_space<semaphore_mem>>
        %dma_start3A_28 = arith.constant 0 : i32
        %dma_start3A_29 = arith.constant 0 : i32
        %dma_start3A_30 = tpu.memref_slice %arg9[%dma_start3A_28, %dma_start3A_29] : memref<160x64xi32, #tpu.memory_space<vmem>> -> memref<160x64xi32, #tpu.memory_space<vmem>>
        %dma_start3A_31 = arith.constant 0 : i32
        %dma_start3A_32 = arith.constant 0 : i32
        %dma_start3A_33 = tpu.memref_slice %arg5[%arg1, %dma_start3A_31, %dma_start3A_32] : memref<16x160x64xi32, #tpu.memory_space<hbm>> -> memref<1x160x64xi32, #tpu.memory_space<hbm>>
        %dma_start3A_34 = tpu.memref_squeeze %dma_start3A_33 : memref<1x160x64xi32, #tpu.memory_space<hbm>> -> memref<160x64xi32, #tpu.memory_space<hbm>>
        %dma_start3A_35 = arith.constant 0 : i32
        %dma_start3A_36 = arith.constant 0 : i32
        %dma_start3A_37 = tpu.memref_slice %arg9[%dma_start3A_35, %dma_start3A_36] : memref<160x64xi32, #tpu.memory_space<vmem>> -> memref<160x64xi32, #tpu.memory_space<vmem>>
        %dma_start3A_38 = arith.constant 0 : i32
        %dma_start3A_39 = arith.constant 0 : i32
        %dma_start3A_40 = tpu.memref_slice %arg5[%arg1, %dma_start3A_38, %dma_start3A_39] : memref<16x160x64xi32, #tpu.memory_space<hbm>> -> memref<1x160x64xi32, #tpu.memory_space<hbm>>
        %dma_start3A_41 = tpu.memref_squeeze %dma_start3A_40 : memref<1x160x64xi32, #tpu.memory_space<hbm>> -> memref<160x64xi32, #tpu.memory_space<hbm>>
        tpu.enqueue_dma source(%dma_start3A_41 : memref<160x64xi32, #tpu.memory_space<hbm>>) target(%dma_start3A_37 : memref<160x64xi32, #tpu.memory_space<vmem>>) target_semaphore(%run_scoped3A : memref<!tpu.dma_semaphore, #tpu.memory_space<semaphore_mem>>)
        %dma_wait3A = arith.constant 0 : i32
        %dma_wait3A_42 = arith.constant 0 : i32
        %dma_wait3A_43 = tpu.memref_slice %arg9[%dma_wait3A, %dma_wait3A_42] : memref<160x64xi32, #tpu.memory_space<vmem>> -> memref<160x64xi32, #tpu.memory_space<vmem>>
        %dma_wait3A_44 = arith.constant 0 : i32
        %dma_wait3A_45 = arith.constant 0 : i32
        %dma_wait3A_46 = tpu.memref_slice %arg5[%arg1, %dma_wait3A_44, %dma_wait3A_45] : memref<16x160x64xi32, #tpu.memory_space<hbm>> -> memref<1x160x64xi32, #tpu.memory_space<hbm>>
        %dma_wait3A_47 = tpu.memref_squeeze %dma_wait3A_46 : memref<1x160x64xi32, #tpu.memory_space<hbm>> -> memref<160x64xi32, #tpu.memory_space<hbm>>
        %dma_wait3A_48 = arith.constant 0 : i32
        %dma_wait3A_49 = arith.constant 0 : i32
        %dma_wait3A_50 = tpu.memref_slice %arg9[%dma_wait3A_48, %dma_wait3A_49] : memref<160x64xi32, #tpu.memory_space<vmem>> -> memref<160x64xi32, #tpu.memory_space<vmem>>
        %dma_wait3A_51 = arith.constant 0 : i32
        %dma_wait3A_52 = arith.constant 0 : i32
        %dma_wait3A_53 = tpu.memref_slice %arg5[%arg1, %dma_wait3A_51, %dma_wait3A_52] : memref<16x160x64xi32, #tpu.memory_space<hbm>> -> memref<1x160x64xi32, #tpu.memory_space<hbm>>
        %dma_wait3A_54 = tpu.memref_squeeze %dma_wait3A_53 : memref<1x160x64xi32, #tpu.memory_space<hbm>> -> memref<160x64xi32, #tpu.memory_space<hbm>>
        tpu.wait_dma2 semaphore(%run_scoped3A : memref<!tpu.dma_semaphore, #tpu.memory_space<semaphore_mem>>) src(%dma_wait3A_54 : memref<160x64xi32, #tpu.memory_space<hbm>>) dst(%dma_wait3A_50 : memref<160x64xi32, #tpu.memory_space<vmem>>)
        tpu.yield
      }) : () -> ()
      "tpu.region"() ({
        %run_scoped3A = tpu.sem_alloc : memref<!tpu.dma_semaphore, #tpu.memory_space<semaphore_mem>>
        %dma_start3A_28 = arith.constant 0 : i32
        %dma_start3A_29 = arith.constant 0 : i32
        %dma_start3A_30 = tpu.memref_slice %arg10[%dma_start3A_28, %dma_start3A_29] : memref<160x64xi32, #tpu.memory_space<vmem>> -> memref<160x64xi32, #tpu.memory_space<vmem>>
        %dma_start3A_31 = arith.constant 0 : i32
        %dma_start3A_32 = arith.constant 0 : i32
        %dma_start3A_33 = tpu.memref_slice %arg6[%arg1, %dma_start3A_31, %dma_start3A_32] : memref<16x160x64xi32, #tpu.memory_space<hbm>> -> memref<1x160x64xi32, #tpu.memory_space<hbm>>
        %dma_start3A_34 = tpu.memref_squeeze %dma_start3A_33 : memref<1x160x64xi32, #tpu.memory_space<hbm>> -> memref<160x64xi32, #tpu.memory_space<hbm>>
        %dma_start3A_35 = arith.constant 0 : i32
        %dma_start3A_36 = arith.constant 0 : i32
        %dma_start3A_37 = tpu.memref_slice %arg10[%dma_start3A_35, %dma_start3A_36] : memref<160x64xi32, #tpu.memory_space<vmem>> -> memref<160x64xi32, #tpu.memory_space<vmem>>
        %dma_start3A_38 = arith.constant 0 : i32
        %dma_start3A_39 = arith.constant 0 : i32
        %dma_start3A_40 = tpu.memref_slice %arg6[%arg1, %dma_start3A_38, %dma_start3A_39] : memref<16x160x64xi32, #tpu.memory_space<hbm>> -> memref<1x160x64xi32, #tpu.memory_space<hbm>>
        %dma_start3A_41 = tpu.memref_squeeze %dma_start3A_40 : memref<1x160x64xi32, #tpu.memory_space<hbm>> -> memref<160x64xi32, #tpu.memory_space<hbm>>
        tpu.enqueue_dma source(%dma_start3A_41 : memref<160x64xi32, #tpu.memory_space<hbm>>) target(%dma_start3A_37 : memref<160x64xi32, #tpu.memory_space<vmem>>) target_semaphore(%run_scoped3A : memref<!tpu.dma_semaphore, #tpu.memory_space<semaphore_mem>>)
        %dma_wait3A = arith.constant 0 : i32
        %dma_wait3A_42 = arith.constant 0 : i32
        %dma_wait3A_43 = tpu.memref_slice %arg10[%dma_wait3A, %dma_wait3A_42] : memref<160x64xi32, #tpu.memory_space<vmem>> -> memref<160x64xi32, #tpu.memory_space<vmem>>
        %dma_wait3A_44 = arith.constant 0 : i32
        %dma_wait3A_45 = arith.constant 0 : i32
        %dma_wait3A_46 = tpu.memref_slice %arg6[%arg1, %dma_wait3A_44, %dma_wait3A_45] : memref<16x160x64xi32, #tpu.memory_space<hbm>> -> memref<1x160x64xi32, #tpu.memory_space<hbm>>
        %dma_wait3A_47 = tpu.memref_squeeze %dma_wait3A_46 : memref<1x160x64xi32, #tpu.memory_space<hbm>> -> memref<160x64xi32, #tpu.memory_space<hbm>>
        %dma_wait3A_48 = arith.constant 0 : i32
        %dma_wait3A_49 = arith.constant 0 : i32
        %dma_wait3A_50 = tpu.memref_slice %arg10[%dma_wait3A_48, %dma_wait3A_49] : memref<160x64xi32, #tpu.memory_space<vmem>> -> memref<160x64xi32, #tpu.memory_space<vmem>>
        %dma_wait3A_51 = arith.constant 0 : i32
        %dma_wait3A_52 = arith.constant 0 : i32
        %dma_wait3A_53 = tpu.memref_slice %arg6[%arg1, %dma_wait3A_51, %dma_wait3A_52] : memref<16x160x64xi32, #tpu.memory_space<hbm>> -> memref<1x160x64xi32, #tpu.memory_space<hbm>>
        %dma_wait3A_54 = tpu.memref_squeeze %dma_wait3A_53 : memref<1x160x64xi32, #tpu.memory_space<hbm>> -> memref<160x64xi32, #tpu.memory_space<hbm>>
        tpu.wait_dma2 semaphore(%run_scoped3A : memref<!tpu.dma_semaphore, #tpu.memory_space<semaphore_mem>>) src(%dma_wait3A_54 : memref<160x64xi32, #tpu.memory_space<hbm>>) dst(%dma_wait3A_50 : memref<160x64xi32, #tpu.memory_space<vmem>>)
        tpu.yield
      }) : () -> ()
      %dma_start3A = arith.constant 0 : i32
      %dma_start3A_17 = arith.constant 0 : i32
      %dma_start3A_18 = tpu.memref_slice %arg9[%dma_start3A, %dma_start3A_17] : memref<160x64xi32, #tpu.memory_space<vmem>> -> memref<1x64xi32, #tpu.memory_space<vmem>>
      %dma_start3A_19 = tpu.memref_squeeze %dma_start3A_18 : memref<1x64xi32, #tpu.memory_space<vmem>> -> memref<64xi32, #tpu.memory_space<vmem>>
      %dma_start3A_20 = arith.constant 0 : i32
      %dma_start3A_21 = arith.constant 0 : i32
      %dma_start3A_22 = tpu.memref_slice %arg14[%dma_start3A_20, %dma_start3A_21] : memref<10240x64xf32, #tpu.memory_space<vmem_shared>> -> memref<10240x64xf32, #tpu.memory_space<vmem_shared>>
      tpu.enqueue_indirect_dma source(%dma_start3A_22 : memref<10240x64xf32, #tpu.memory_space<vmem_shared>>) target(%arg11 : memref<64x64xf32, #tpu.memory_space<vmem>>) offsets(%dma_start3A_19 : memref<64xi32, #tpu.memory_space<vmem>>) semaphore(%arg15 : memref<!tpu.dma_semaphore, #tpu.memory_space<semaphore_mem>>)
      %scan3A = arith.constant 0 : i32
      %scan3A_23 = arith.constant 0 : i32
      %scan3A_24 = arith.constant 80 : i32
      %scan3A_25 = arith.addi %scan3A_23, %scan3A_24 : i32
      %scan3A_26 = arith.constant 1 : i32
      scf.for %scan3A_28 = %scan3A_23 to %scan3A_25 step %scan3A_26  : i32 {
        %mul3A_29 = arith.constant 2 : i32
        %mul3A_30 = arith.muli %mul3A_29, %scan3A_28 : i32
        %add3A = arith.constant 0 : i32
        %add3A_31 = arith.addi %mul3A_30, %add3A : i32
        %add3A_32 = arith.constant 1 : i32
        %add3A_33 = arith.addi %add3A_31, %add3A_32 : i32
        %lt3A = arith.constant 160 : i32
        %lt3A_34 = arith.cmpi slt, %add3A_33, %lt3A : i32
        %convert_element_type3A_35 = arith.extui %lt3A_34 : i1 to i32
        %cond3A_36 = arith.constant 0 : i32
        %cond3A_37 = arith.cmpi ne, %convert_element_type3A_35, %cond3A_36 : i32
        scf.if %cond3A_37 {
          %add3A_60 = arith.constant 1 : i32
          %add3A_61 = arith.addi %add3A_31, %add3A_60 : i32
          %dma_start3A_62 = arith.constant 0 : i32
          %dma_start3A_63 = tpu.memref_slice %arg9[%add3A_61, %dma_start3A_62] : memref<160x64xi32, #tpu.memory_space<vmem>> -> memref<1x64xi32, #tpu.memory_space<vmem>>
          %dma_start3A_64 = tpu.memref_squeeze %dma_start3A_63 : memref<1x64xi32, #tpu.memory_space<vmem>> -> memref<64xi32, #tpu.memory_space<vmem>>
          %dma_start3A_65 = arith.constant 0 : i32
          %dma_start3A_66 = arith.constant 0 : i32
          %dma_start3A_67 = tpu.memref_slice %arg14[%dma_start3A_65, %dma_start3A_66] : memref<10240x64xf32, #tpu.memory_space<vmem_shared>> -> memref<10240x64xf32, #tpu.memory_space<vmem_shared>>
          tpu.enqueue_indirect_dma source(%dma_start3A_67 : memref<10240x64xf32, #tpu.memory_space<vmem_shared>>) target(%arg12 : memref<64x64xf32, #tpu.memory_space<vmem>>) offsets(%dma_start3A_64 : memref<64xi32, #tpu.memory_space<vmem>>) semaphore(%arg16 : memref<!tpu.dma_semaphore, #tpu.memory_space<semaphore_mem>>)
        } else {
        }
        %dma_wait3A = arith.constant 0 : i32
        %dma_wait3A_38 = tpu.memref_slice %arg9[%add3A_31, %dma_wait3A] : memref<160x64xi32, #tpu.memory_space<vmem>> -> memref<1x64xi32, #tpu.memory_space<vmem>>
        %dma_wait3A_39 = tpu.memref_squeeze %dma_wait3A_38 : memref<1x64xi32, #tpu.memory_space<vmem>> -> memref<64xi32, #tpu.memory_space<vmem>>
        %dma_wait3A_40 = arith.constant 0 : i32
        %dma_wait3A_41 = arith.constant 0 : i32
        %dma_wait3A_42 = tpu.memref_slice %arg14[%dma_wait3A_40, %dma_wait3A_41] : memref<10240x64xf32, #tpu.memory_space<vmem_shared>> -> memref<10240x64xf32, #tpu.memory_space<vmem_shared>>
        tpu.wait_indirect_dma semaphore(%arg15 : memref<!tpu.dma_semaphore, #tpu.memory_space<semaphore_mem>>) src(%dma_wait3A_42 : memref<10240x64xf32, #tpu.memory_space<vmem_shared>>) dst(%arg11 : memref<64x64xf32, #tpu.memory_space<vmem>>)
        "tpu.region"() ({
          %run_scoped3A = tpu.sem_alloc : memref<!tpu.dma_semaphore, #tpu.memory_space<semaphore_mem>>
          %dma_start3A_60 = arith.constant 0 : i32
          %dma_start3A_61 = tpu.memref_slice %arg10[%add3A_31, %dma_start3A_60] : memref<160x64xi32, #tpu.memory_space<vmem>> -> memref<1x64xi32, #tpu.memory_space<vmem>>
          %dma_start3A_62 = tpu.memref_squeeze %dma_start3A_61 : memref<1x64xi32, #tpu.memory_space<vmem>> -> memref<64xi32, #tpu.memory_space<vmem>>
          %dma_start3A_63 = arith.constant 0 : i32
          %dma_start3A_64 = arith.constant 0 : i32
          %dma_start3A_65 = tpu.memref_slice %arg13[%dma_start3A_63, %dma_start3A_64] : memref<10240x64xf32, #tpu.memory_space<vmem_shared>> -> memref<10240x64xf32, #tpu.memory_space<vmem_shared>>
          tpu.enqueue_indirect_dma source(%arg11 : memref<64x64xf32, #tpu.memory_space<vmem>>) target(%dma_start3A_65 : memref<10240x64xf32, #tpu.memory_space<vmem_shared>>) offsets(%dma_start3A_62 : memref<64xi32, #tpu.memory_space<vmem>>) semaphore(%run_scoped3A : memref<!tpu.dma_semaphore, #tpu.memory_space<semaphore_mem>>) {add = true}
          %dma_wait3A_66 = arith.constant 0 : i32
          %dma_wait3A_67 = tpu.memref_slice %arg10[%add3A_31, %dma_wait3A_66] : memref<160x64xi32, #tpu.memory_space<vmem>> -> memref<1x64xi32, #tpu.memory_space<vmem>>
          %dma_wait3A_68 = tpu.memref_squeeze %dma_wait3A_67 : memref<1x64xi32, #tpu.memory_space<vmem>> -> memref<64xi32, #tpu.memory_space<vmem>>
          %dma_wait3A_69 = arith.constant 0 : i32
          %dma_wait3A_70 = arith.constant 0 : i32
          %dma_wait3A_71 = tpu.memref_slice %arg13[%dma_wait3A_69, %dma_wait3A_70] : memref<10240x64xf32, #tpu.memory_space<vmem_shared>> -> memref<10240x64xf32, #tpu.memory_space<vmem_shared>>
          tpu.wait_indirect_dma semaphore(%run_scoped3A : memref<!tpu.dma_semaphore, #tpu.memory_space<semaphore_mem>>) src(%arg11 : memref<64x64xf32, #tpu.memory_space<vmem>>) dst(%dma_wait3A_71 : memref<10240x64xf32, #tpu.memory_space<vmem_shared>>)
          tpu.yield
        }) : () -> ()
        %mul3A_43 = arith.constant 2 : i32
        %mul3A_44 = arith.muli %mul3A_43, %scan3A_28 : i32
        %add3A_45 = arith.constant 1 : i32
        %add3A_46 = arith.addi %mul3A_44, %add3A_45 : i32
        %add3A_47 = arith.constant 1 : i32
        %add3A_48 = arith.addi %add3A_46, %add3A_47 : i32
        %lt3A_49 = arith.constant 160 : i32
        %lt3A_50 = arith.cmpi slt, %add3A_48, %lt3A_49 : i32
        %convert_element_type3A_51 = arith.extui %lt3A_50 : i1 to i32
        %cond3A_52 = arith.constant 0 : i32
        %cond3A_53 = arith.cmpi ne, %convert_element_type3A_51, %cond3A_52 : i32
        scf.if %cond3A_53 {
          %add3A_60 = arith.constant 1 : i32
          %add3A_61 = arith.addi %add3A_46, %add3A_60 : i32
          %dma_start3A_62 = arith.constant 0 : i32
          %dma_start3A_63 = tpu.memref_slice %arg9[%add3A_61, %dma_start3A_62] : memref<160x64xi32, #tpu.memory_space<vmem>> -> memref<1x64xi32, #tpu.memory_space<vmem>>
          %dma_start3A_64 = tpu.memref_squeeze %dma_start3A_63 : memref<1x64xi32, #tpu.memory_space<vmem>> -> memref<64xi32, #tpu.memory_space<vmem>>
          %dma_start3A_65 = arith.constant 0 : i32
          %dma_start3A_66 = arith.constant 0 : i32
          %dma_start3A_67 = tpu.memref_slice %arg14[%dma_start3A_65, %dma_start3A_66] : memref<10240x64xf32, #tpu.memory_space<vmem_shared>> -> memref<10240x64xf32, #tpu.memory_space<vmem_shared>>
          tpu.enqueue_indirect_dma source(%dma_start3A_67 : memref<10240x64xf32, #tpu.memory_space<vmem_shared>>) target(%arg11 : memref<64x64xf32, #tpu.memory_space<vmem>>) offsets(%dma_start3A_64 : memref<64xi32, #tpu.memory_space<vmem>>) semaphore(%arg15 : memref<!tpu.dma_semaphore, #tpu.memory_space<semaphore_mem>>)
        } else {
        }
        %dma_wait3A_54 = arith.constant 0 : i32
        %dma_wait3A_55 = tpu.memref_slice %arg9[%add3A_46, %dma_wait3A_54] : memref<160x64xi32, #tpu.memory_space<vmem>> -> memref<1x64xi32, #tpu.memory_space<vmem>>
        %dma_wait3A_56 = tpu.memref_squeeze %dma_wait3A_55 : memref<1x64xi32, #tpu.memory_space<vmem>> -> memref<64xi32, #tpu.memory_space<vmem>>
        %dma_wait3A_57 = arith.constant 0 : i32
        %dma_wait3A_58 = arith.constant 0 : i32
        %dma_wait3A_59 = tpu.memref_slice %arg14[%dma_wait3A_57, %dma_wait3A_58] : memref<10240x64xf32, #tpu.memory_space<vmem_shared>> -> memref<10240x64xf32, #tpu.memory_space<vmem_shared>>
        tpu.wait_indirect_dma semaphore(%arg16 : memref<!tpu.dma_semaphore, #tpu.memory_space<semaphore_mem>>) src(%dma_wait3A_59 : memref<10240x64xf32, #tpu.memory_space<vmem_shared>>) dst(%arg12 : memref<64x64xf32, #tpu.memory_space<vmem>>)
        "tpu.region"() ({
          %run_scoped3A = tpu.sem_alloc : memref<!tpu.dma_semaphore, #tpu.memory_space<semaphore_mem>>
          %dma_start3A_60 = arith.constant 0 : i32
          %dma_start3A_61 = tpu.memref_slice %arg10[%add3A_46, %dma_start3A_60] : memref<160x64xi32, #tpu.memory_space<vmem>> -> memref<1x64xi32, #tpu.memory_space<vmem>>
          %dma_start3A_62 = tpu.memref_squeeze %dma_start3A_61 : memref<1x64xi32, #tpu.memory_space<vmem>> -> memref<64xi32, #tpu.memory_space<vmem>>
          %dma_start3A_63 = arith.constant 0 : i32
          %dma_start3A_64 = arith.constant 0 : i32
          %dma_start3A_65 = tpu.memref_slice %arg13[%dma_start3A_63, %dma_start3A_64] : memref<10240x64xf32, #tpu.memory_space<vmem_shared>> -> memref<10240x64xf32, #tpu.memory_space<vmem_shared>>
          tpu.enqueue_indirect_dma source(%arg12 : memref<64x64xf32, #tpu.memory_space<vmem>>) target(%dma_start3A_65 : memref<10240x64xf32, #tpu.memory_space<vmem_shared>>) offsets(%dma_start3A_62 : memref<64xi32, #tpu.memory_space<vmem>>) semaphore(%run_scoped3A : memref<!tpu.dma_semaphore, #tpu.memory_space<semaphore_mem>>) {add = true}
          %dma_wait3A_66 = arith.constant 0 : i32
          %dma_wait3A_67 = tpu.memref_slice %arg10[%add3A_46, %dma_wait3A_66] : memref<160x64xi32, #tpu.memory_space<vmem>> -> memref<1x64xi32, #tpu.memory_space<vmem>>
          %dma_wait3A_68 = tpu.memref_squeeze %dma_wait3A_67 : memref<1x64xi32, #tpu.memory_space<vmem>> -> memref<64xi32, #tpu.memory_space<vmem>>
          %dma_wait3A_69 = arith.constant 0 : i32
          %dma_wait3A_70 = arith.constant 0 : i32
          %dma_wait3A_71 = tpu.memref_slice %arg13[%dma_wait3A_69, %dma_wait3A_70] : memref<10240x64xf32, #tpu.memory_space<vmem_shared>> -> memref<10240x64xf32, #tpu.memory_space<vmem_shared>>
          tpu.wait_indirect_dma semaphore(%run_scoped3A : memref<!tpu.dma_semaphore, #tpu.memory_space<semaphore_mem>>) src(%arg12 : memref<64x64xf32, #tpu.memory_space<vmem>>) dst(%dma_wait3A_71 : memref<10240x64xf32, #tpu.memory_space<vmem_shared>>)
          tpu.yield
        }) : () -> ()
      }
      %scan3A_27 = arith.constant 80 : i32
    } else {
    }
    %barrier3A_12 = arith.constant 0 : index
    tpu.barrier barrier_id(%barrier3A_12)
    %mul3A_13 = arith.constant 640 : i32
    %mul3A_14 = arith.muli %arg1, %mul3A_13 : i32
    %mul3A_15 = arith.constant 640 : i32
    %mul3A_16 = arith.muli %arg1, %mul3A_15 : i32
    "tpu.region"() ({
      %run_scoped3A = tpu.sem_alloc : memref<!tpu.dma_semaphore, #tpu.memory_space<semaphore_mem>>
      %dma_start3A = arith.constant 0 : i32
      %dma_start3A_17 = arith.constant 0 : i32
      %dma_start3A_18 = tpu.memref_slice %arg8[%arg0, %dma_start3A, %dma_start3A_17] : memref<2x10240x64xf32, #tpu.memory_space<hbm>> -> memref<1x10240x64xf32, #tpu.memory_space<hbm>>
      %dma_start3A_19 = tpu.memref_squeeze %dma_start3A_18 : memref<1x10240x64xf32, #tpu.memory_space<hbm>> -> memref<10240x64xf32, #tpu.memory_space<hbm>>
      %dma_start3A_20 = arith.constant 0 : i32
      %dma_start3A_21 = tpu.memref_slice %dma_start3A_19[%mul3A_16, %dma_start3A_20] : memref<10240x64xf32, #tpu.memory_space<hbm>> -> memref<640x64xf32, #tpu.memory_space<hbm>>
      %dma_start3A_22 = arith.constant 0 : i32
      %dma_start3A_23 = tpu.memref_slice %arg13[%mul3A_14, %dma_start3A_22] : memref<10240x64xf32, #tpu.memory_space<vmem_shared>> -> memref<640x64xf32, #tpu.memory_space<vmem_shared>>
      tpu.enqueue_dma source(%dma_start3A_23 : memref<640x64xf32, #tpu.memory_space<vmem_shared>>) target(%dma_start3A_21 : memref<640x64xf32, #tpu.memory_space<hbm>>) target_semaphore(%run_scoped3A : memref<!tpu.dma_semaphore, #tpu.memory_space<semaphore_mem>>)
      %dma_wait3A = arith.constant 0 : i32
      %dma_wait3A_24 = arith.constant 0 : i32
      %dma_wait3A_25 = tpu.memref_slice %arg8[%arg0, %dma_wait3A, %dma_wait3A_24] : memref<2x10240x64xf32, #tpu.memory_space<hbm>> -> memref<1x10240x64xf32, #tpu.memory_space<hbm>>
      %dma_wait3A_26 = tpu.memref_squeeze %dma_wait3A_25 : memref<1x10240x64xf32, #tpu.memory_space<hbm>> -> memref<10240x64xf32, #tpu.memory_space<hbm>>
      %dma_wait3A_27 = arith.constant 0 : i32
      %dma_wait3A_28 = tpu.memref_slice %dma_wait3A_26[%mul3A_16, %dma_wait3A_27] : memref<10240x64xf32, #tpu.memory_space<hbm>> -> memref<640x64xf32, #tpu.memory_space<hbm>>
      %dma_wait3A_29 = arith.constant 0 : i32
      %dma_wait3A_30 = tpu.memref_slice %arg13[%mul3A_14, %dma_wait3A_29] : memref<10240x64xf32, #tpu.memory_space<vmem_shared>> -> memref<640x64xf32, #tpu.memory_space<vmem_shared>>
      tpu.wait_dma2 semaphore(%run_scoped3A : memref<!tpu.dma_semaphore, #tpu.memory_space<semaphore_mem>>) src(%dma_wait3A_30 : memref<640x64xf32, #tpu.memory_space<vmem_shared>>) dst(%dma_wait3A_28 : memref<640x64xf32, #tpu.memory_space<hbm>>)
      tpu.yield
    }) : () -> ()
    return
  }
}

#map = affine_map<(d0, d1) -> (0, 0)>
#map1 = affine_map<(d0, d1) -> (0, 0, 0)>
module attributes {stable_mosaic.version = 14 : i64} {
  func.func @_agg_body(%arg0: i32, %arg1: i32, %arg2: memref<10240x64xf32, #tpu.memory_space<hbm>>, %arg3: memref<16x160x64xi32, #tpu.memory_space<hbm>>, %arg4: memref<16x160x64xi32, #tpu.memory_space<hbm>>, %arg5: memref<16x160x64xi32, #tpu.memory_space<hbm>>, %arg6: memref<16x160x64xi32, #tpu.memory_space<hbm>>, %arg7: memref<640x64xf32, #tpu.memory_space<hbm>>, %arg8: memref<2x10240x64xf32, #tpu.memory_space<hbm>>, %arg9: memref<160x64xi32, #tpu.memory_space<vmem>>, %arg10: memref<160x64xi32, #tpu.memory_space<vmem>>, %arg11: memref<64x64xf32, #tpu.memory_space<vmem>>, %arg12: memref<64x64xf32, #tpu.memory_space<vmem>>, %arg13: memref<10240x64xf32, #tpu.memory_space<vmem_shared>>, %arg14: memref<10240x64xf32, #tpu.memory_space<vmem_shared>>, %arg15: memref<!tpu.dma_semaphore, #tpu.memory_space<semaphore_mem>>, %arg16: memref<!tpu.dma_semaphore, #tpu.memory_space<semaphore_mem>>) attributes {dimension_semantics = [#tpu.dimension_semantics<core_parallel>, #tpu.dimension_semantics<subcore_parallel>], iteration_bounds = array<i64: 2, 16>, scalar_prefetch = 0 : i64, scratch_operands = 8 : i64, tpu.core_type = #tpu.core_type<sc_vector_subcore>, window_params = [{transform_indices = #map}, {transform_indices = #map1}, {transform_indices = #map1}, {transform_indices = #map1}, {transform_indices = #map1}, {transform_indices = #map}, {transform_indices = #map1}]} {
    %mul3A = arith.constant 640 : i32
    %mul3A_0 = arith.muli %arg1, %mul3A : i32
    "tpu.region"() ({
      %run_scoped3A = tpu.sem_alloc : memref<!tpu.dma_semaphore, #tpu.memory_space<semaphore_mem>>
      %dma_start3A = arith.constant 0 : i32
      %dma_start3A_17 = tpu.memref_slice %arg13[%mul3A_0, %dma_start3A] : memref<10240x64xf32, #tpu.memory_space<vmem_shared>> -> memref<640x64xf32, #tpu.memory_space<vmem_shared>>
      tpu.enqueue_dma source(%arg7 : memref<640x64xf32, #tpu.memory_space<hbm>>) target(%dma_start3A_17 : memref<640x64xf32, #tpu.memory_space<vmem_shared>>) target_semaphore(%run_scoped3A : memref<!tpu.dma_semaphore, #tpu.memory_space<semaphore_mem>>)
      %dma_wait3A = arith.constant 0 : i32
      %dma_wait3A_18 = tpu.memref_slice %arg13[%mul3A_0, %dma_wait3A] : memref<10240x64xf32, #tpu.memory_space<vmem_shared>> -> memref<640x64xf32, #tpu.memory_space<vmem_shared>>
      tpu.wait_dma2 semaphore(%run_scoped3A : memref<!tpu.dma_semaphore, #tpu.memory_space<semaphore_mem>>) src(%arg7 : memref<640x64xf32, #tpu.memory_space<hbm>>) dst(%dma_wait3A_18 : memref<640x64xf32, #tpu.memory_space<vmem_shared>>)
      tpu.yield
    }) : () -> ()
    %mul3A_1 = arith.constant 640 : i32
    %mul3A_2 = arith.muli %arg1, %mul3A_1 : i32
    %mul3A_3 = arith.constant 640 : i32
    %mul3A_4 = arith.muli %arg1, %mul3A_3 : i32
    "tpu.region"() ({
      %run_scoped3A = tpu.sem_alloc : memref<!tpu.dma_semaphore, #tpu.memory_space<semaphore_mem>>
      %dma_start3A = arith.constant 0 : i32
      %dma_start3A_17 = tpu.memref_slice %arg14[%mul3A_4, %dma_start3A] : memref<10240x64xf32, #tpu.memory_space<vmem_shared>> -> memref<640x64xf32, #tpu.memory_space<vmem_shared>>
      %dma_start3A_18 = arith.constant 0 : i32
      %dma_start3A_19 = tpu.memref_slice %arg2[%mul3A_2, %dma_start3A_18] : memref<10240x64xf32, #tpu.memory_space<hbm>> -> memref<640x64xf32, #tpu.memory_space<hbm>>
      tpu.enqueue_dma source(%dma_start3A_19 : memref<640x64xf32, #tpu.memory_space<hbm>>) target(%dma_start3A_17 : memref<640x64xf32, #tpu.memory_space<vmem_shared>>) target_semaphore(%run_scoped3A : memref<!tpu.dma_semaphore, #tpu.memory_space<semaphore_mem>>)
      %dma_wait3A = arith.constant 0 : i32
      %dma_wait3A_20 = tpu.memref_slice %arg14[%mul3A_4, %dma_wait3A] : memref<10240x64xf32, #tpu.memory_space<vmem_shared>> -> memref<640x64xf32, #tpu.memory_space<vmem_shared>>
      %dma_wait3A_21 = arith.constant 0 : i32
      %dma_wait3A_22 = tpu.memref_slice %arg2[%mul3A_2, %dma_wait3A_21] : memref<10240x64xf32, #tpu.memory_space<hbm>> -> memref<640x64xf32, #tpu.memory_space<hbm>>
      tpu.wait_dma2 semaphore(%run_scoped3A : memref<!tpu.dma_semaphore, #tpu.memory_space<semaphore_mem>>) src(%dma_wait3A_22 : memref<640x64xf32, #tpu.memory_space<hbm>>) dst(%dma_wait3A_20 : memref<640x64xf32, #tpu.memory_space<vmem_shared>>)
      tpu.yield
    }) : () -> ()
    %barrier3A = arith.constant 0 : index
    tpu.barrier barrier_id(%barrier3A)
    %eq3A = arith.constant 0 : i32
    %eq3A_5 = arith.cmpi eq, %arg0, %eq3A : i32
    %convert_element_type3A = arith.extui %eq3A_5 : i1 to i32
    %cond3A = arith.constant 0 : i32
    %cond3A_6 = arith.cmpi ne, %convert_element_type3A, %cond3A : i32
    scf.if %cond3A_6 {
      "tpu.region"() ({
        %run_scoped3A = tpu.sem_alloc : memref<!tpu.dma_semaphore, #tpu.memory_space<semaphore_mem>>
        %dma_start3A_28 = arith.constant 0 : i32
        %dma_start3A_29 = arith.constant 0 : i32
        %dma_start3A_30 = tpu.memref_slice %arg9[%dma_start3A_28, %dma_start3A_29] : memref<160x64xi32, #tpu.memory_space<vmem>> -> memref<160x64xi32, #tpu.memory_space<vmem>>
        %dma_start3A_31 = arith.constant 0 : i32
        %dma_start3A_32 = arith.constant 0 : i32
        %dma_start3A_33 = tpu.memref_slice %arg3[%arg1, %dma_start3A_31, %dma_start3A_32] : memref<16x160x64xi32, #tpu.memory_space<hbm>> -> memref<1x160x64xi32, #tpu.memory_space<hbm>>
        %dma_start3A_34 = tpu.memref_squeeze %dma_start3A_33 : memref<1x160x64xi32, #tpu.memory_space<hbm>> -> memref<160x64xi32, #tpu.memory_space<hbm>>
        %dma_start3A_35 = arith.constant 0 : i32
        %dma_start3A_36 = arith.constant 0 : i32
        %dma_start3A_37 = tpu.memref_slice %arg9[%dma_start3A_35, %dma_start3A_36] : memref<160x64xi32, #tpu.memory_space<vmem>> -> memref<160x64xi32, #tpu.memory_space<vmem>>
        %dma_start3A_38 = arith.constant 0 : i32
        %dma_start3A_39 = arith.constant 0 : i32
        %dma_start3A_40 = tpu.memref_slice %arg3[%arg1, %dma_start3A_38, %dma_start3A_39] : memref<16x160x64xi32, #tpu.memory_space<hbm>> -> memref<1x160x64xi32, #tpu.memory_space<hbm>>
        %dma_start3A_41 = tpu.memref_squeeze %dma_start3A_40 : memref<1x160x64xi32, #tpu.memory_space<hbm>> -> memref<160x64xi32, #tpu.memory_space<hbm>>
        tpu.enqueue_dma source(%dma_start3A_41 : memref<160x64xi32, #tpu.memory_space<hbm>>) target(%dma_start3A_37 : memref<160x64xi32, #tpu.memory_space<vmem>>) target_semaphore(%run_scoped3A : memref<!tpu.dma_semaphore, #tpu.memory_space<semaphore_mem>>)
        %dma_wait3A = arith.constant 0 : i32
        %dma_wait3A_42 = arith.constant 0 : i32
        %dma_wait3A_43 = tpu.memref_slice %arg9[%dma_wait3A, %dma_wait3A_42] : memref<160x64xi32, #tpu.memory_space<vmem>> -> memref<160x64xi32, #tpu.memory_space<vmem>>
        %dma_wait3A_44 = arith.constant 0 : i32
        %dma_wait3A_45 = arith.constant 0 : i32
        %dma_wait3A_46 = tpu.memref_slice %arg3[%arg1, %dma_wait3A_44, %dma_wait3A_45] : memref<16x160x64xi32, #tpu.memory_space<hbm>> -> memref<1x160x64xi32, #tpu.memory_space<hbm>>
        %dma_wait3A_47 = tpu.memref_squeeze %dma_wait3A_46 : memref<1x160x64xi32, #tpu.memory_space<hbm>> -> memref<160x64xi32, #tpu.memory_space<hbm>>
        %dma_wait3A_48 = arith.constant 0 : i32
        %dma_wait3A_49 = arith.constant 0 : i32
        %dma_wait3A_50 = tpu.memref_slice %arg9[%dma_wait3A_48, %dma_wait3A_49] : memref<160x64xi32, #tpu.memory_space<vmem>> -> memref<160x64xi32, #tpu.memory_space<vmem>>
        %dma_wait3A_51 = arith.constant 0 : i32
        %dma_wait3A_52 = arith.constant 0 : i32
        %dma_wait3A_53 = tpu.memref_slice %arg3[%arg1, %dma_wait3A_51, %dma_wait3A_52] : memref<16x160x64xi32, #tpu.memory_space<hbm>> -> memref<1x160x64xi32, #tpu.memory_space<hbm>>
        %dma_wait3A_54 = tpu.memref_squeeze %dma_wait3A_53 : memref<1x160x64xi32, #tpu.memory_space<hbm>> -> memref<160x64xi32, #tpu.memory_space<hbm>>
        tpu.wait_dma2 semaphore(%run_scoped3A : memref<!tpu.dma_semaphore, #tpu.memory_space<semaphore_mem>>) src(%dma_wait3A_54 : memref<160x64xi32, #tpu.memory_space<hbm>>) dst(%dma_wait3A_50 : memref<160x64xi32, #tpu.memory_space<vmem>>)
        tpu.yield
      }) : () -> ()
      "tpu.region"() ({
        %run_scoped3A = tpu.sem_alloc : memref<!tpu.dma_semaphore, #tpu.memory_space<semaphore_mem>>
        %dma_start3A_28 = arith.constant 0 : i32
        %dma_start3A_29 = arith.constant 0 : i32
        %dma_start3A_30 = tpu.memref_slice %arg10[%dma_start3A_28, %dma_start3A_29] : memref<160x64xi32, #tpu.memory_space<vmem>> -> memref<160x64xi32, #tpu.memory_space<vmem>>
        %dma_start3A_31 = arith.constant 0 : i32
        %dma_start3A_32 = arith.constant 0 : i32
        %dma_start3A_33 = tpu.memref_slice %arg4[%arg1, %dma_start3A_31, %dma_start3A_32] : memref<16x160x64xi32, #tpu.memory_space<hbm>> -> memref<1x160x64xi32, #tpu.memory_space<hbm>>
        %dma_start3A_34 = tpu.memref_squeeze %dma_start3A_33 : memref<1x160x64xi32, #tpu.memory_space<hbm>> -> memref<160x64xi32, #tpu.memory_space<hbm>>
        %dma_start3A_35 = arith.constant 0 : i32
        %dma_start3A_36 = arith.constant 0 : i32
        %dma_start3A_37 = tpu.memref_slice %arg10[%dma_start3A_35, %dma_start3A_36] : memref<160x64xi32, #tpu.memory_space<vmem>> -> memref<160x64xi32, #tpu.memory_space<vmem>>
        %dma_start3A_38 = arith.constant 0 : i32
        %dma_start3A_39 = arith.constant 0 : i32
        %dma_start3A_40 = tpu.memref_slice %arg4[%arg1, %dma_start3A_38, %dma_start3A_39] : memref<16x160x64xi32, #tpu.memory_space<hbm>> -> memref<1x160x64xi32, #tpu.memory_space<hbm>>
        %dma_start3A_41 = tpu.memref_squeeze %dma_start3A_40 : memref<1x160x64xi32, #tpu.memory_space<hbm>> -> memref<160x64xi32, #tpu.memory_space<hbm>>
        tpu.enqueue_dma source(%dma_start3A_41 : memref<160x64xi32, #tpu.memory_space<hbm>>) target(%dma_start3A_37 : memref<160x64xi32, #tpu.memory_space<vmem>>) target_semaphore(%run_scoped3A : memref<!tpu.dma_semaphore, #tpu.memory_space<semaphore_mem>>)
        %dma_wait3A = arith.constant 0 : i32
        %dma_wait3A_42 = arith.constant 0 : i32
        %dma_wait3A_43 = tpu.memref_slice %arg10[%dma_wait3A, %dma_wait3A_42] : memref<160x64xi32, #tpu.memory_space<vmem>> -> memref<160x64xi32, #tpu.memory_space<vmem>>
        %dma_wait3A_44 = arith.constant 0 : i32
        %dma_wait3A_45 = arith.constant 0 : i32
        %dma_wait3A_46 = tpu.memref_slice %arg4[%arg1, %dma_wait3A_44, %dma_wait3A_45] : memref<16x160x64xi32, #tpu.memory_space<hbm>> -> memref<1x160x64xi32, #tpu.memory_space<hbm>>
        %dma_wait3A_47 = tpu.memref_squeeze %dma_wait3A_46 : memref<1x160x64xi32, #tpu.memory_space<hbm>> -> memref<160x64xi32, #tpu.memory_space<hbm>>
        %dma_wait3A_48 = arith.constant 0 : i32
        %dma_wait3A_49 = arith.constant 0 : i32
        %dma_wait3A_50 = tpu.memref_slice %arg10[%dma_wait3A_48, %dma_wait3A_49] : memref<160x64xi32, #tpu.memory_space<vmem>> -> memref<160x64xi32, #tpu.memory_space<vmem>>
        %dma_wait3A_51 = arith.constant 0 : i32
        %dma_wait3A_52 = arith.constant 0 : i32
        %dma_wait3A_53 = tpu.memref_slice %arg4[%arg1, %dma_wait3A_51, %dma_wait3A_52] : memref<16x160x64xi32, #tpu.memory_space<hbm>> -> memref<1x160x64xi32, #tpu.memory_space<hbm>>
        %dma_wait3A_54 = tpu.memref_squeeze %dma_wait3A_53 : memref<1x160x64xi32, #tpu.memory_space<hbm>> -> memref<160x64xi32, #tpu.memory_space<hbm>>
        tpu.wait_dma2 semaphore(%run_scoped3A : memref<!tpu.dma_semaphore, #tpu.memory_space<semaphore_mem>>) src(%dma_wait3A_54 : memref<160x64xi32, #tpu.memory_space<hbm>>) dst(%dma_wait3A_50 : memref<160x64xi32, #tpu.memory_space<vmem>>)
        tpu.yield
      }) : () -> ()
      %dma_start3A = arith.constant 0 : i32
      %dma_start3A_17 = arith.constant 0 : i32
      %dma_start3A_18 = tpu.memref_slice %arg9[%dma_start3A, %dma_start3A_17] : memref<160x64xi32, #tpu.memory_space<vmem>> -> memref<1x64xi32, #tpu.memory_space<vmem>>
      %dma_start3A_19 = tpu.memref_squeeze %dma_start3A_18 : memref<1x64xi32, #tpu.memory_space<vmem>> -> memref<64xi32, #tpu.memory_space<vmem>>
      %dma_start3A_20 = arith.constant 0 : i32
      %dma_start3A_21 = arith.constant 0 : i32
      %dma_start3A_22 = tpu.memref_slice %arg14[%dma_start3A_20, %dma_start3A_21] : memref<10240x64xf32, #tpu.memory_space<vmem_shared>> -> memref<10240x64xf32, #tpu.memory_space<vmem_shared>>
      tpu.enqueue_indirect_dma source(%dma_start3A_22 : memref<10240x64xf32, #tpu.memory_space<vmem_shared>>) target(%arg11 : memref<64x64xf32, #tpu.memory_space<vmem>>) offsets(%dma_start3A_19 : memref<64xi32, #tpu.memory_space<vmem>>) semaphore(%arg15 : memref<!tpu.dma_semaphore, #tpu.memory_space<semaphore_mem>>)
      %scan3A = arith.constant 0 : i32
      %scan3A_23 = arith.constant 0 : i32
      %scan3A_24 = arith.constant 80 : i32
      %scan3A_25 = arith.addi %scan3A_23, %scan3A_24 : i32
      %scan3A_26 = arith.constant 1 : i32
      scf.for %scan3A_28 = %scan3A_23 to %scan3A_25 step %scan3A_26  : i32 {
        %mul3A_29 = arith.constant 2 : i32
        %mul3A_30 = arith.muli %mul3A_29, %scan3A_28 : i32
        %add3A = arith.constant 0 : i32
        %add3A_31 = arith.addi %mul3A_30, %add3A : i32
        %add3A_32 = arith.constant 1 : i32
        %add3A_33 = arith.addi %add3A_31, %add3A_32 : i32
        %lt3A = arith.constant 160 : i32
        %lt3A_34 = arith.cmpi slt, %add3A_33, %lt3A : i32
        %convert_element_type3A_35 = arith.extui %lt3A_34 : i1 to i32
        %cond3A_36 = arith.constant 0 : i32
        %cond3A_37 = arith.cmpi ne, %convert_element_type3A_35, %cond3A_36 : i32
        scf.if %cond3A_37 {
          %add3A_60 = arith.constant 1 : i32
          %add3A_61 = arith.addi %add3A_31, %add3A_60 : i32
          %dma_start3A_62 = arith.constant 0 : i32
          %dma_start3A_63 = tpu.memref_slice %arg9[%add3A_61, %dma_start3A_62] : memref<160x64xi32, #tpu.memory_space<vmem>> -> memref<1x64xi32, #tpu.memory_space<vmem>>
          %dma_start3A_64 = tpu.memref_squeeze %dma_start3A_63 : memref<1x64xi32, #tpu.memory_space<vmem>> -> memref<64xi32, #tpu.memory_space<vmem>>
          %dma_start3A_65 = arith.constant 0 : i32
          %dma_start3A_66 = arith.constant 0 : i32
          %dma_start3A_67 = tpu.memref_slice %arg14[%dma_start3A_65, %dma_start3A_66] : memref<10240x64xf32, #tpu.memory_space<vmem_shared>> -> memref<10240x64xf32, #tpu.memory_space<vmem_shared>>
          tpu.enqueue_indirect_dma source(%dma_start3A_67 : memref<10240x64xf32, #tpu.memory_space<vmem_shared>>) target(%arg12 : memref<64x64xf32, #tpu.memory_space<vmem>>) offsets(%dma_start3A_64 : memref<64xi32, #tpu.memory_space<vmem>>) semaphore(%arg16 : memref<!tpu.dma_semaphore, #tpu.memory_space<semaphore_mem>>)
        } else {
        }
        %dma_wait3A = arith.constant 0 : i32
        %dma_wait3A_38 = tpu.memref_slice %arg9[%add3A_31, %dma_wait3A] : memref<160x64xi32, #tpu.memory_space<vmem>> -> memref<1x64xi32, #tpu.memory_space<vmem>>
        %dma_wait3A_39 = tpu.memref_squeeze %dma_wait3A_38 : memref<1x64xi32, #tpu.memory_space<vmem>> -> memref<64xi32, #tpu.memory_space<vmem>>
        %dma_wait3A_40 = arith.constant 0 : i32
        %dma_wait3A_41 = arith.constant 0 : i32
        %dma_wait3A_42 = tpu.memref_slice %arg14[%dma_wait3A_40, %dma_wait3A_41] : memref<10240x64xf32, #tpu.memory_space<vmem_shared>> -> memref<10240x64xf32, #tpu.memory_space<vmem_shared>>
        tpu.wait_indirect_dma semaphore(%arg15 : memref<!tpu.dma_semaphore, #tpu.memory_space<semaphore_mem>>) src(%dma_wait3A_42 : memref<10240x64xf32, #tpu.memory_space<vmem_shared>>) dst(%arg11 : memref<64x64xf32, #tpu.memory_space<vmem>>)
        "tpu.region"() ({
          %run_scoped3A = tpu.sem_alloc : memref<!tpu.dma_semaphore, #tpu.memory_space<semaphore_mem>>
          %dma_start3A_60 = arith.constant 0 : i32
          %dma_start3A_61 = tpu.memref_slice %arg10[%add3A_31, %dma_start3A_60] : memref<160x64xi32, #tpu.memory_space<vmem>> -> memref<1x64xi32, #tpu.memory_space<vmem>>
          %dma_start3A_62 = tpu.memref_squeeze %dma_start3A_61 : memref<1x64xi32, #tpu.memory_space<vmem>> -> memref<64xi32, #tpu.memory_space<vmem>>
          %dma_start3A_63 = arith.constant 0 : i32
          %dma_start3A_64 = arith.constant 0 : i32
          %dma_start3A_65 = tpu.memref_slice %arg13[%dma_start3A_63, %dma_start3A_64] : memref<10240x64xf32, #tpu.memory_space<vmem_shared>> -> memref<10240x64xf32, #tpu.memory_space<vmem_shared>>
          tpu.enqueue_indirect_dma source(%arg11 : memref<64x64xf32, #tpu.memory_space<vmem>>) target(%dma_start3A_65 : memref<10240x64xf32, #tpu.memory_space<vmem_shared>>) offsets(%dma_start3A_62 : memref<64xi32, #tpu.memory_space<vmem>>) semaphore(%run_scoped3A : memref<!tpu.dma_semaphore, #tpu.memory_space<semaphore_mem>>) {add = true}
          %dma_wait3A_66 = arith.constant 0 : i32
          %dma_wait3A_67 = tpu.memref_slice %arg10[%add3A_31, %dma_wait3A_66] : memref<160x64xi32, #tpu.memory_space<vmem>> -> memref<1x64xi32, #tpu.memory_space<vmem>>
          %dma_wait3A_68 = tpu.memref_squeeze %dma_wait3A_67 : memref<1x64xi32, #tpu.memory_space<vmem>> -> memref<64xi32, #tpu.memory_space<vmem>>
          %dma_wait3A_69 = arith.constant 0 : i32
          %dma_wait3A_70 = arith.constant 0 : i32
          %dma_wait3A_71 = tpu.memref_slice %arg13[%dma_wait3A_69, %dma_wait3A_70] : memref<10240x64xf32, #tpu.memory_space<vmem_shared>> -> memref<10240x64xf32, #tpu.memory_space<vmem_shared>>
          tpu.wait_indirect_dma semaphore(%run_scoped3A : memref<!tpu.dma_semaphore, #tpu.memory_space<semaphore_mem>>) src(%arg11 : memref<64x64xf32, #tpu.memory_space<vmem>>) dst(%dma_wait3A_71 : memref<10240x64xf32, #tpu.memory_space<vmem_shared>>)
          tpu.yield
        }) : () -> ()
        %mul3A_43 = arith.constant 2 : i32
        %mul3A_44 = arith.muli %mul3A_43, %scan3A_28 : i32
        %add3A_45 = arith.constant 1 : i32
        %add3A_46 = arith.addi %mul3A_44, %add3A_45 : i32
        %add3A_47 = arith.constant 1 : i32
        %add3A_48 = arith.addi %add3A_46, %add3A_47 : i32
        %lt3A_49 = arith.constant 160 : i32
        %lt3A_50 = arith.cmpi slt, %add3A_48, %lt3A_49 : i32
        %convert_element_type3A_51 = arith.extui %lt3A_50 : i1 to i32
        %cond3A_52 = arith.constant 0 : i32
        %cond3A_53 = arith.cmpi ne, %convert_element_type3A_51, %cond3A_52 : i32
        scf.if %cond3A_53 {
          %add3A_60 = arith.constant 1 : i32
          %add3A_61 = arith.addi %add3A_46, %add3A_60 : i32
          %dma_start3A_62 = arith.constant 0 : i32
          %dma_start3A_63 = tpu.memref_slice %arg9[%add3A_61, %dma_start3A_62] : memref<160x64xi32, #tpu.memory_space<vmem>> -> memref<1x64xi32, #tpu.memory_space<vmem>>
          %dma_start3A_64 = tpu.memref_squeeze %dma_start3A_63 : memref<1x64xi32, #tpu.memory_space<vmem>> -> memref<64xi32, #tpu.memory_space<vmem>>
          %dma_start3A_65 = arith.constant 0 : i32
          %dma_start3A_66 = arith.constant 0 : i32
          %dma_start3A_67 = tpu.memref_slice %arg14[%dma_start3A_65, %dma_start3A_66] : memref<10240x64xf32, #tpu.memory_space<vmem_shared>> -> memref<10240x64xf32, #tpu.memory_space<vmem_shared>>
          tpu.enqueue_indirect_dma source(%dma_start3A_67 : memref<10240x64xf32, #tpu.memory_space<vmem_shared>>) target(%arg11 : memref<64x64xf32, #tpu.memory_space<vmem>>) offsets(%dma_start3A_64 : memref<64xi32, #tpu.memory_space<vmem>>) semaphore(%arg15 : memref<!tpu.dma_semaphore, #tpu.memory_space<semaphore_mem>>)
        } else {
        }
        %dma_wait3A_54 = arith.constant 0 : i32
        %dma_wait3A_55 = tpu.memref_slice %arg9[%add3A_46, %dma_wait3A_54] : memref<160x64xi32, #tpu.memory_space<vmem>> -> memref<1x64xi32, #tpu.memory_space<vmem>>
        %dma_wait3A_56 = tpu.memref_squeeze %dma_wait3A_55 : memref<1x64xi32, #tpu.memory_space<vmem>> -> memref<64xi32, #tpu.memory_space<vmem>>
        %dma_wait3A_57 = arith.constant 0 : i32
        %dma_wait3A_58 = arith.constant 0 : i32
        %dma_wait3A_59 = tpu.memref_slice %arg14[%dma_wait3A_57, %dma_wait3A_58] : memref<10240x64xf32, #tpu.memory_space<vmem_shared>> -> memref<10240x64xf32, #tpu.memory_space<vmem_shared>>
        tpu.wait_indirect_dma semaphore(%arg16 : memref<!tpu.dma_semaphore, #tpu.memory_space<semaphore_mem>>) src(%dma_wait3A_59 : memref<10240x64xf32, #tpu.memory_space<vmem_shared>>) dst(%arg12 : memref<64x64xf32, #tpu.memory_space<vmem>>)
        "tpu.region"() ({
          %run_scoped3A = tpu.sem_alloc : memref<!tpu.dma_semaphore, #tpu.memory_space<semaphore_mem>>
          %dma_start3A_60 = arith.constant 0 : i32
          %dma_start3A_61 = tpu.memref_slice %arg10[%add3A_46, %dma_start3A_60] : memref<160x64xi32, #tpu.memory_space<vmem>> -> memref<1x64xi32, #tpu.memory_space<vmem>>
          %dma_start3A_62 = tpu.memref_squeeze %dma_start3A_61 : memref<1x64xi32, #tpu.memory_space<vmem>> -> memref<64xi32, #tpu.memory_space<vmem>>
          %dma_start3A_63 = arith.constant 0 : i32
          %dma_start3A_64 = arith.constant 0 : i32
          %dma_start3A_65 = tpu.memref_slice %arg13[%dma_start3A_63, %dma_start3A_64] : memref<10240x64xf32, #tpu.memory_space<vmem_shared>> -> memref<10240x64xf32, #tpu.memory_space<vmem_shared>>
          tpu.enqueue_indirect_dma source(%arg12 : memref<64x64xf32, #tpu.memory_space<vmem>>) target(%dma_start3A_65 : memref<10240x64xf32, #tpu.memory_space<vmem_shared>>) offsets(%dma_start3A_62 : memref<64xi32, #tpu.memory_space<vmem>>) semaphore(%run_scoped3A : memref<!tpu.dma_semaphore, #tpu.memory_space<semaphore_mem>>) {add = true}
          %dma_wait3A_66 = arith.constant 0 : i32
          %dma_wait3A_67 = tpu.memref_slice %arg10[%add3A_46, %dma_wait3A_66] : memref<160x64xi32, #tpu.memory_space<vmem>> -> memref<1x64xi32, #tpu.memory_space<vmem>>
          %dma_wait3A_68 = tpu.memref_squeeze %dma_wait3A_67 : memref<1x64xi32, #tpu.memory_space<vmem>> -> memref<64xi32, #tpu.memory_space<vmem>>
          %dma_wait3A_69 = arith.constant 0 : i32
          %dma_wait3A_70 = arith.constant 0 : i32
          %dma_wait3A_71 = tpu.memref_slice %arg13[%dma_wait3A_69, %dma_wait3A_70] : memref<10240x64xf32, #tpu.memory_space<vmem_shared>> -> memref<10240x64xf32, #tpu.memory_space<vmem_shared>>
          tpu.wait_indirect_dma semaphore(%run_scoped3A : memref<!tpu.dma_semaphore, #tpu.memory_space<semaphore_mem>>) src(%arg12 : memref<64x64xf32, #tpu.memory_space<vmem>>) dst(%dma_wait3A_71 : memref<10240x64xf32, #tpu.memory_space<vmem_shared>>)
          tpu.yield
        }) : () -> ()
      }
      %scan3A_27 = arith.constant 80 : i32
    } else {
    }
    %eq3A_7 = arith.constant 1 : i32
    %eq3A_8 = arith.cmpi eq, %arg0, %eq3A_7 : i32
    %convert_element_type3A_9 = arith.extui %eq3A_8 : i1 to i32
    %cond3A_10 = arith.constant 0 : i32
    %cond3A_11 = arith.cmpi ne, %convert_element_type3A_9, %cond3A_10 : i32
    scf.if %cond3A_11 {
      "tpu.region"() ({
        %run_scoped3A = tpu.sem_alloc : memref<!tpu.dma_semaphore, #tpu.memory_space<semaphore_mem>>
        %dma_start3A_28 = arith.constant 0 : i32
        %dma_start3A_29 = arith.constant 0 : i32
        %dma_start3A_30 = tpu.memref_slice %arg9[%dma_start3A_28, %dma_start3A_29] : memref<160x64xi32, #tpu.memory_space<vmem>> -> memref<160x64xi32, #tpu.memory_space<vmem>>
        %dma_start3A_31 = arith.constant 0 : i32
        %dma_start3A_32 = arith.constant 0 : i32
        %dma_start3A_33 = tpu.memref_slice %arg5[%arg1, %dma_start3A_31, %dma_start3A_32] : memref<16x160x64xi32, #tpu.memory_space<hbm>> -> memref<1x160x64xi32, #tpu.memory_space<hbm>>
        %dma_start3A_34 = tpu.memref_squeeze %dma_start3A_33 : memref<1x160x64xi32, #tpu.memory_space<hbm>> -> memref<160x64xi32, #tpu.memory_space<hbm>>
        %dma_start3A_35 = arith.constant 0 : i32
        %dma_start3A_36 = arith.constant 0 : i32
        %dma_start3A_37 = tpu.memref_slice %arg9[%dma_start3A_35, %dma_start3A_36] : memref<160x64xi32, #tpu.memory_space<vmem>> -> memref<160x64xi32, #tpu.memory_space<vmem>>
        %dma_start3A_38 = arith.constant 0 : i32
        %dma_start3A_39 = arith.constant 0 : i32
        %dma_start3A_40 = tpu.memref_slice %arg5[%arg1, %dma_start3A_38, %dma_start3A_39] : memref<16x160x64xi32, #tpu.memory_space<hbm>> -> memref<1x160x64xi32, #tpu.memory_space<hbm>>
        %dma_start3A_41 = tpu.memref_squeeze %dma_start3A_40 : memref<1x160x64xi32, #tpu.memory_space<hbm>> -> memref<160x64xi32, #tpu.memory_space<hbm>>
        tpu.enqueue_dma source(%dma_start3A_41 : memref<160x64xi32, #tpu.memory_space<hbm>>) target(%dma_start3A_37 : memref<160x64xi32, #tpu.memory_space<vmem>>) target_semaphore(%run_scoped3A : memref<!tpu.dma_semaphore, #tpu.memory_space<semaphore_mem>>)
        %dma_wait3A = arith.constant 0 : i32
        %dma_wait3A_42 = arith.constant 0 : i32
        %dma_wait3A_43 = tpu.memref_slice %arg9[%dma_wait3A, %dma_wait3A_42] : memref<160x64xi32, #tpu.memory_space<vmem>> -> memref<160x64xi32, #tpu.memory_space<vmem>>
        %dma_wait3A_44 = arith.constant 0 : i32
        %dma_wait3A_45 = arith.constant 0 : i32
        %dma_wait3A_46 = tpu.memref_slice %arg5[%arg1, %dma_wait3A_44, %dma_wait3A_45] : memref<16x160x64xi32, #tpu.memory_space<hbm>> -> memref<1x160x64xi32, #tpu.memory_space<hbm>>
        %dma_wait3A_47 = tpu.memref_squeeze %dma_wait3A_46 : memref<1x160x64xi32, #tpu.memory_space<hbm>> -> memref<160x64xi32, #tpu.memory_space<hbm>>
        %dma_wait3A_48 = arith.constant 0 : i32
        %dma_wait3A_49 = arith.constant 0 : i32
        %dma_wait3A_50 = tpu.memref_slice %arg9[%dma_wait3A_48, %dma_wait3A_49] : memref<160x64xi32, #tpu.memory_space<vmem>> -> memref<160x64xi32, #tpu.memory_space<vmem>>
        %dma_wait3A_51 = arith.constant 0 : i32
        %dma_wait3A_52 = arith.constant 0 : i32
        %dma_wait3A_53 = tpu.memref_slice %arg5[%arg1, %dma_wait3A_51, %dma_wait3A_52] : memref<16x160x64xi32, #tpu.memory_space<hbm>> -> memref<1x160x64xi32, #tpu.memory_space<hbm>>
        %dma_wait3A_54 = tpu.memref_squeeze %dma_wait3A_53 : memref<1x160x64xi32, #tpu.memory_space<hbm>> -> memref<160x64xi32, #tpu.memory_space<hbm>>
        tpu.wait_dma2 semaphore(%run_scoped3A : memref<!tpu.dma_semaphore, #tpu.memory_space<semaphore_mem>>) src(%dma_wait3A_54 : memref<160x64xi32, #tpu.memory_space<hbm>>) dst(%dma_wait3A_50 : memref<160x64xi32, #tpu.memory_space<vmem>>)
        tpu.yield
      }) : () -> ()
      "tpu.region"() ({
        %run_scoped3A = tpu.sem_alloc : memref<!tpu.dma_semaphore, #tpu.memory_space<semaphore_mem>>
        %dma_start3A_28 = arith.constant 0 : i32
        %dma_start3A_29 = arith.constant 0 : i32
        %dma_start3A_30 = tpu.memref_slice %arg10[%dma_start3A_28, %dma_start3A_29] : memref<160x64xi32, #tpu.memory_space<vmem>> -> memref<160x64xi32, #tpu.memory_space<vmem>>
        %dma_start3A_31 = arith.constant 0 : i32
        %dma_start3A_32 = arith.constant 0 : i32
        %dma_start3A_33 = tpu.memref_slice %arg6[%arg1, %dma_start3A_31, %dma_start3A_32] : memref<16x160x64xi32, #tpu.memory_space<hbm>> -> memref<1x160x64xi32, #tpu.memory_space<hbm>>
        %dma_start3A_34 = tpu.memref_squeeze %dma_start3A_33 : memref<1x160x64xi32, #tpu.memory_space<hbm>> -> memref<160x64xi32, #tpu.memory_space<hbm>>
        %dma_start3A_35 = arith.constant 0 : i32
        %dma_start3A_36 = arith.constant 0 : i32
        %dma_start3A_37 = tpu.memref_slice %arg10[%dma_start3A_35, %dma_start3A_36] : memref<160x64xi32, #tpu.memory_space<vmem>> -> memref<160x64xi32, #tpu.memory_space<vmem>>
        %dma_start3A_38 = arith.constant 0 : i32
        %dma_start3A_39 = arith.constant 0 : i32
        %dma_start3A_40 = tpu.memref_slice %arg6[%arg1, %dma_start3A_38, %dma_start3A_39] : memref<16x160x64xi32, #tpu.memory_space<hbm>> -> memref<1x160x64xi32, #tpu.memory_space<hbm>>
        %dma_start3A_41 = tpu.memref_squeeze %dma_start3A_40 : memref<1x160x64xi32, #tpu.memory_space<hbm>> -> memref<160x64xi32, #tpu.memory_space<hbm>>
        tpu.enqueue_dma source(%dma_start3A_41 : memref<160x64xi32, #tpu.memory_space<hbm>>) target(%dma_start3A_37 : memref<160x64xi32, #tpu.memory_space<vmem>>) target_semaphore(%run_scoped3A : memref<!tpu.dma_semaphore, #tpu.memory_space<semaphore_mem>>)
        %dma_wait3A = arith.constant 0 : i32
        %dma_wait3A_42 = arith.constant 0 : i32
        %dma_wait3A_43 = tpu.memref_slice %arg10[%dma_wait3A, %dma_wait3A_42] : memref<160x64xi32, #tpu.memory_space<vmem>> -> memref<160x64xi32, #tpu.memory_space<vmem>>
        %dma_wait3A_44 = arith.constant 0 : i32
        %dma_wait3A_45 = arith.constant 0 : i32
        %dma_wait3A_46 = tpu.memref_slice %arg6[%arg1, %dma_wait3A_44, %dma_wait3A_45] : memref<16x160x64xi32, #tpu.memory_space<hbm>> -> memref<1x160x64xi32, #tpu.memory_space<hbm>>
        %dma_wait3A_47 = tpu.memref_squeeze %dma_wait3A_46 : memref<1x160x64xi32, #tpu.memory_space<hbm>> -> memref<160x64xi32, #tpu.memory_space<hbm>>
        %dma_wait3A_48 = arith.constant 0 : i32
        %dma_wait3A_49 = arith.constant 0 : i32
        %dma_wait3A_50 = tpu.memref_slice %arg10[%dma_wait3A_48, %dma_wait3A_49] : memref<160x64xi32, #tpu.memory_space<vmem>> -> memref<160x64xi32, #tpu.memory_space<vmem>>
        %dma_wait3A_51 = arith.constant 0 : i32
        %dma_wait3A_52 = arith.constant 0 : i32
        %dma_wait3A_53 = tpu.memref_slice %arg6[%arg1, %dma_wait3A_51, %dma_wait3A_52] : memref<16x160x64xi32, #tpu.memory_space<hbm>> -> memref<1x160x64xi32, #tpu.memory_space<hbm>>
        %dma_wait3A_54 = tpu.memref_squeeze %dma_wait3A_53 : memref<1x160x64xi32, #tpu.memory_space<hbm>> -> memref<160x64xi32, #tpu.memory_space<hbm>>
        tpu.wait_dma2 semaphore(%run_scoped3A : memref<!tpu.dma_semaphore, #tpu.memory_space<semaphore_mem>>) src(%dma_wait3A_54 : memref<160x64xi32, #tpu.memory_space<hbm>>) dst(%dma_wait3A_50 : memref<160x64xi32, #tpu.memory_space<vmem>>)
        tpu.yield
      }) : () -> ()
      %dma_start3A = arith.constant 0 : i32
      %dma_start3A_17 = arith.constant 0 : i32
      %dma_start3A_18 = tpu.memref_slice %arg9[%dma_start3A, %dma_start3A_17] : memref<160x64xi32, #tpu.memory_space<vmem>> -> memref<1x64xi32, #tpu.memory_space<vmem>>
      %dma_start3A_19 = tpu.memref_squeeze %dma_start3A_18 : memref<1x64xi32, #tpu.memory_space<vmem>> -> memref<64xi32, #tpu.memory_space<vmem>>
      %dma_start3A_20 = arith.constant 0 : i32
      %dma_start3A_21 = arith.constant 0 : i32
      %dma_start3A_22 = tpu.memref_slice %arg14[%dma_start3A_20, %dma_start3A_21] : memref<10240x64xf32, #tpu.memory_space<vmem_shared>> -> memref<10240x64xf32, #tpu.memory_space<vmem_shared>>
      tpu.enqueue_indirect_dma source(%dma_start3A_22 : memref<10240x64xf32, #tpu.memory_space<vmem_shared>>) target(%arg11 : memref<64x64xf32, #tpu.memory_space<vmem>>) offsets(%dma_start3A_19 : memref<64xi32, #tpu.memory_space<vmem>>) semaphore(%arg15 : memref<!tpu.dma_semaphore, #tpu.memory_space<semaphore_mem>>)
      %scan3A = arith.constant 0 : i32
      %scan3A_23 = arith.constant 0 : i32
      %scan3A_24 = arith.constant 80 : i32
      %scan3A_25 = arith.addi %scan3A_23, %scan3A_24 : i32
      %scan3A_26 = arith.constant 1 : i32
      scf.for %scan3A_28 = %scan3A_23 to %scan3A_25 step %scan3A_26  : i32 {
        %mul3A_29 = arith.constant 2 : i32
        %mul3A_30 = arith.muli %mul3A_29, %scan3A_28 : i32
        %add3A = arith.constant 0 : i32
        %add3A_31 = arith.addi %mul3A_30, %add3A : i32
        %add3A_32 = arith.constant 1 : i32
        %add3A_33 = arith.addi %add3A_31, %add3A_32 : i32
        %lt3A = arith.constant 160 : i32
        %lt3A_34 = arith.cmpi slt, %add3A_33, %lt3A : i32
        %convert_element_type3A_35 = arith.extui %lt3A_34 : i1 to i32
        %cond3A_36 = arith.constant 0 : i32
        %cond3A_37 = arith.cmpi ne, %convert_element_type3A_35, %cond3A_36 : i32
        scf.if %cond3A_37 {
          %add3A_60 = arith.constant 1 : i32
          %add3A_61 = arith.addi %add3A_31, %add3A_60 : i32
          %dma_start3A_62 = arith.constant 0 : i32
          %dma_start3A_63 = tpu.memref_slice %arg9[%add3A_61, %dma_start3A_62] : memref<160x64xi32, #tpu.memory_space<vmem>> -> memref<1x64xi32, #tpu.memory_space<vmem>>
          %dma_start3A_64 = tpu.memref_squeeze %dma_start3A_63 : memref<1x64xi32, #tpu.memory_space<vmem>> -> memref<64xi32, #tpu.memory_space<vmem>>
          %dma_start3A_65 = arith.constant 0 : i32
          %dma_start3A_66 = arith.constant 0 : i32
          %dma_start3A_67 = tpu.memref_slice %arg14[%dma_start3A_65, %dma_start3A_66] : memref<10240x64xf32, #tpu.memory_space<vmem_shared>> -> memref<10240x64xf32, #tpu.memory_space<vmem_shared>>
          tpu.enqueue_indirect_dma source(%dma_start3A_67 : memref<10240x64xf32, #tpu.memory_space<vmem_shared>>) target(%arg12 : memref<64x64xf32, #tpu.memory_space<vmem>>) offsets(%dma_start3A_64 : memref<64xi32, #tpu.memory_space<vmem>>) semaphore(%arg16 : memref<!tpu.dma_semaphore, #tpu.memory_space<semaphore_mem>>)
        } else {
        }
        %dma_wait3A = arith.constant 0 : i32
        %dma_wait3A_38 = tpu.memref_slice %arg9[%add3A_31, %dma_wait3A] : memref<160x64xi32, #tpu.memory_space<vmem>> -> memref<1x64xi32, #tpu.memory_space<vmem>>
        %dma_wait3A_39 = tpu.memref_squeeze %dma_wait3A_38 : memref<1x64xi32, #tpu.memory_space<vmem>> -> memref<64xi32, #tpu.memory_space<vmem>>
        %dma_wait3A_40 = arith.constant 0 : i32
        %dma_wait3A_41 = arith.constant 0 : i32
        %dma_wait3A_42 = tpu.memref_slice %arg14[%dma_wait3A_40, %dma_wait3A_41] : memref<10240x64xf32, #tpu.memory_space<vmem_shared>> -> memref<10240x64xf32, #tpu.memory_space<vmem_shared>>
        tpu.wait_indirect_dma semaphore(%arg15 : memref<!tpu.dma_semaphore, #tpu.memory_space<semaphore_mem>>) src(%dma_wait3A_42 : memref<10240x64xf32, #tpu.memory_space<vmem_shared>>) dst(%arg11 : memref<64x64xf32, #tpu.memory_space<vmem>>)
        "tpu.region"() ({
          %run_scoped3A = tpu.sem_alloc : memref<!tpu.dma_semaphore, #tpu.memory_space<semaphore_mem>>
          %dma_start3A_60 = arith.constant 0 : i32
          %dma_start3A_61 = tpu.memref_slice %arg10[%add3A_31, %dma_start3A_60] : memref<160x64xi32, #tpu.memory_space<vmem>> -> memref<1x64xi32, #tpu.memory_space<vmem>>
          %dma_start3A_62 = tpu.memref_squeeze %dma_start3A_61 : memref<1x64xi32, #tpu.memory_space<vmem>> -> memref<64xi32, #tpu.memory_space<vmem>>
          %dma_start3A_63 = arith.constant 0 : i32
          %dma_start3A_64 = arith.constant 0 : i32
          %dma_start3A_65 = tpu.memref_slice %arg13[%dma_start3A_63, %dma_start3A_64] : memref<10240x64xf32, #tpu.memory_space<vmem_shared>> -> memref<10240x64xf32, #tpu.memory_space<vmem_shared>>
          tpu.enqueue_indirect_dma source(%arg11 : memref<64x64xf32, #tpu.memory_space<vmem>>) target(%dma_start3A_65 : memref<10240x64xf32, #tpu.memory_space<vmem_shared>>) offsets(%dma_start3A_62 : memref<64xi32, #tpu.memory_space<vmem>>) semaphore(%run_scoped3A : memref<!tpu.dma_semaphore, #tpu.memory_space<semaphore_mem>>) {add = true}
          %dma_wait3A_66 = arith.constant 0 : i32
          %dma_wait3A_67 = tpu.memref_slice %arg10[%add3A_31, %dma_wait3A_66] : memref<160x64xi32, #tpu.memory_space<vmem>> -> memref<1x64xi32, #tpu.memory_space<vmem>>
          %dma_wait3A_68 = tpu.memref_squeeze %dma_wait3A_67 : memref<1x64xi32, #tpu.memory_space<vmem>> -> memref<64xi32, #tpu.memory_space<vmem>>
          %dma_wait3A_69 = arith.constant 0 : i32
          %dma_wait3A_70 = arith.constant 0 : i32
          %dma_wait3A_71 = tpu.memref_slice %arg13[%dma_wait3A_69, %dma_wait3A_70] : memref<10240x64xf32, #tpu.memory_space<vmem_shared>> -> memref<10240x64xf32, #tpu.memory_space<vmem_shared>>
          tpu.wait_indirect_dma semaphore(%run_scoped3A : memref<!tpu.dma_semaphore, #tpu.memory_space<semaphore_mem>>) src(%arg11 : memref<64x64xf32, #tpu.memory_space<vmem>>) dst(%dma_wait3A_71 : memref<10240x64xf32, #tpu.memory_space<vmem_shared>>)
          tpu.yield
        }) : () -> ()
        %mul3A_43 = arith.constant 2 : i32
        %mul3A_44 = arith.muli %mul3A_43, %scan3A_28 : i32
        %add3A_45 = arith.constant 1 : i32
        %add3A_46 = arith.addi %mul3A_44, %add3A_45 : i32
        %add3A_47 = arith.constant 1 : i32
        %add3A_48 = arith.addi %add3A_46, %add3A_47 : i32
        %lt3A_49 = arith.constant 160 : i32
        %lt3A_50 = arith.cmpi slt, %add3A_48, %lt3A_49 : i32
        %convert_element_type3A_51 = arith.extui %lt3A_50 : i1 to i32
        %cond3A_52 = arith.constant 0 : i32
        %cond3A_53 = arith.cmpi ne, %convert_element_type3A_51, %cond3A_52 : i32
        scf.if %cond3A_53 {
          %add3A_60 = arith.constant 1 : i32
          %add3A_61 = arith.addi %add3A_46, %add3A_60 : i32
          %dma_start3A_62 = arith.constant 0 : i32
          %dma_start3A_63 = tpu.memref_slice %arg9[%add3A_61, %dma_start3A_62] : memref<160x64xi32, #tpu.memory_space<vmem>> -> memref<1x64xi32, #tpu.memory_space<vmem>>
          %dma_start3A_64 = tpu.memref_squeeze %dma_start3A_63 : memref<1x64xi32, #tpu.memory_space<vmem>> -> memref<64xi32, #tpu.memory_space<vmem>>
          %dma_start3A_65 = arith.constant 0 : i32
          %dma_start3A_66 = arith.constant 0 : i32
          %dma_start3A_67 = tpu.memref_slice %arg14[%dma_start3A_65, %dma_start3A_66] : memref<10240x64xf32, #tpu.memory_space<vmem_shared>> -> memref<10240x64xf32, #tpu.memory_space<vmem_shared>>
          tpu.enqueue_indirect_dma source(%dma_start3A_67 : memref<10240x64xf32, #tpu.memory_space<vmem_shared>>) target(%arg11 : memref<64x64xf32, #tpu.memory_space<vmem>>) offsets(%dma_start3A_64 : memref<64xi32, #tpu.memory_space<vmem>>) semaphore(%arg15 : memref<!tpu.dma_semaphore, #tpu.memory_space<semaphore_mem>>)
        } else {
        }
        %dma_wait3A_54 = arith.constant 0 : i32
        %dma_wait3A_55 = tpu.memref_slice %arg9[%add3A_46, %dma_wait3A_54] : memref<160x64xi32, #tpu.memory_space<vmem>> -> memref<1x64xi32, #tpu.memory_space<vmem>>
        %dma_wait3A_56 = tpu.memref_squeeze %dma_wait3A_55 : memref<1x64xi32, #tpu.memory_space<vmem>> -> memref<64xi32, #tpu.memory_space<vmem>>
        %dma_wait3A_57 = arith.constant 0 : i32
        %dma_wait3A_58 = arith.constant 0 : i32
        %dma_wait3A_59 = tpu.memref_slice %arg14[%dma_wait3A_57, %dma_wait3A_58] : memref<10240x64xf32, #tpu.memory_space<vmem_shared>> -> memref<10240x64xf32, #tpu.memory_space<vmem_shared>>
        tpu.wait_indirect_dma semaphore(%arg16 : memref<!tpu.dma_semaphore, #tpu.memory_space<semaphore_mem>>) src(%dma_wait3A_59 : memref<10240x64xf32, #tpu.memory_space<vmem_shared>>) dst(%arg12 : memref<64x64xf32, #tpu.memory_space<vmem>>)
        "tpu.region"() ({
          %run_scoped3A = tpu.sem_alloc : memref<!tpu.dma_semaphore, #tpu.memory_space<semaphore_mem>>
          %dma_start3A_60 = arith.constant 0 : i32
          %dma_start3A_61 = tpu.memref_slice %arg10[%add3A_46, %dma_start3A_60] : memref<160x64xi32, #tpu.memory_space<vmem>> -> memref<1x64xi32, #tpu.memory_space<vmem>>
          %dma_start3A_62 = tpu.memref_squeeze %dma_start3A_61 : memref<1x64xi32, #tpu.memory_space<vmem>> -> memref<64xi32, #tpu.memory_space<vmem>>
          %dma_start3A_63 = arith.constant 0 : i32
          %dma_start3A_64 = arith.constant 0 : i32
          %dma_start3A_65 = tpu.memref_slice %arg13[%dma_start3A_63, %dma_start3A_64] : memref<10240x64xf32, #tpu.memory_space<vmem_shared>> -> memref<10240x64xf32, #tpu.memory_space<vmem_shared>>
          tpu.enqueue_indirect_dma source(%arg12 : memref<64x64xf32, #tpu.memory_space<vmem>>) target(%dma_start3A_65 : memref<10240x64xf32, #tpu.memory_space<vmem_shared>>) offsets(%dma_start3A_62 : memref<64xi32, #tpu.memory_space<vmem>>) semaphore(%run_scoped3A : memref<!tpu.dma_semaphore, #tpu.memory_space<semaphore_mem>>) {add = true}
          %dma_wait3A_66 = arith.constant 0 : i32
          %dma_wait3A_67 = tpu.memref_slice %arg10[%add3A_46, %dma_wait3A_66] : memref<160x64xi32, #tpu.memory_space<vmem>> -> memref<1x64xi32, #tpu.memory_space<vmem>>
          %dma_wait3A_68 = tpu.memref_squeeze %dma_wait3A_67 : memref<1x64xi32, #tpu.memory_space<vmem>> -> memref<64xi32, #tpu.memory_space<vmem>>
          %dma_wait3A_69 = arith.constant 0 : i32
          %dma_wait3A_70 = arith.constant 0 : i32
          %dma_wait3A_71 = tpu.memref_slice %arg13[%dma_wait3A_69, %dma_wait3A_70] : memref<10240x64xf32, #tpu.memory_space<vmem_shared>> -> memref<10240x64xf32, #tpu.memory_space<vmem_shared>>
          tpu.wait_indirect_dma semaphore(%run_scoped3A : memref<!tpu.dma_semaphore, #tpu.memory_space<semaphore_mem>>) src(%arg12 : memref<64x64xf32, #tpu.memory_space<vmem>>) dst(%dma_wait3A_71 : memref<10240x64xf32, #tpu.memory_space<vmem_shared>>)
          tpu.yield
        }) : () -> ()
      }
      %scan3A_27 = arith.constant 80 : i32
    } else {
    }
    %barrier3A_12 = arith.constant 0 : index
    tpu.barrier barrier_id(%barrier3A_12)
    %mul3A_13 = arith.constant 640 : i32
    %mul3A_14 = arith.muli %arg1, %mul3A_13 : i32
    %mul3A_15 = arith.constant 640 : i32
    %mul3A_16 = arith.muli %arg1, %mul3A_15 : i32
    "tpu.region"() ({
      %run_scoped3A = tpu.sem_alloc : memref<!tpu.dma_semaphore, #tpu.memory_space<semaphore_mem>>
      %dma_start3A = arith.constant 0 : i32
      %dma_start3A_17 = arith.constant 0 : i32
      %dma_start3A_18 = tpu.memref_slice %arg8[%arg0, %dma_start3A, %dma_start3A_17] : memref<2x10240x64xf32, #tpu.memory_space<hbm>> -> memref<1x10240x64xf32, #tpu.memory_space<hbm>>
      %dma_start3A_19 = tpu.memref_squeeze %dma_start3A_18 : memref<1x10240x64xf32, #tpu.memory_space<hbm>> -> memref<10240x64xf32, #tpu.memory_space<hbm>>
      %dma_start3A_20 = arith.constant 0 : i32
      %dma_start3A_21 = tpu.memref_slice %dma_start3A_19[%mul3A_16, %dma_start3A_20] : memref<10240x64xf32, #tpu.memory_space<hbm>> -> memref<640x64xf32, #tpu.memory_space<hbm>>
      %dma_start3A_22 = arith.constant 0 : i32
      %dma_start3A_23 = tpu.memref_slice %arg13[%mul3A_14, %dma_start3A_22] : memref<10240x64xf32, #tpu.memory_space<vmem_shared>> -> memref<640x64xf32, #tpu.memory_space<vmem_shared>>
      tpu.enqueue_dma source(%dma_start3A_23 : memref<640x64xf32, #tpu.memory_space<vmem_shared>>) target(%dma_start3A_21 : memref<640x64xf32, #tpu.memory_space<hbm>>) target_semaphore(%run_scoped3A : memref<!tpu.dma_semaphore, #tpu.memory_space<semaphore_mem>>)
      %dma_wait3A = arith.constant 0 : i32
      %dma_wait3A_24 = arith.constant 0 : i32
      %dma_wait3A_25 = tpu.memref_slice %arg8[%arg0, %dma_wait3A, %dma_wait3A_24] : memref<2x10240x64xf32, #tpu.memory_space<hbm>> -> memref<1x10240x64xf32, #tpu.memory_space<hbm>>
      %dma_wait3A_26 = tpu.memref_squeeze %dma_wait3A_25 : memref<1x10240x64xf32, #tpu.memory_space<hbm>> -> memref<10240x64xf32, #tpu.memory_space<hbm>>
      %dma_wait3A_27 = arith.constant 0 : i32
      %dma_wait3A_28 = tpu.memref_slice %dma_wait3A_26[%mul3A_16, %dma_wait3A_27] : memref<10240x64xf32, #tpu.memory_space<hbm>> -> memref<640x64xf32, #tpu.memory_space<hbm>>
      %dma_wait3A_29 = arith.constant 0 : i32
      %dma_wait3A_30 = tpu.memref_slice %arg13[%mul3A_14, %dma_wait3A_29] : memref<10240x64xf32, #tpu.memory_space<vmem_shared>> -> memref<640x64xf32, #tpu.memory_space<vmem_shared>>
      tpu.wait_dma2 semaphore(%run_scoped3A : memref<!tpu.dma_semaphore, #tpu.memory_space<semaphore_mem>>) src(%dma_wait3A_30 : memref<640x64xf32, #tpu.memory_space<vmem_shared>>) dst(%dma_wait3A_28 : memref<640x64xf32, #tpu.memory_space<hbm>>)
      tpu.yield
    }) : () -> ()
    return
  }
}

module attributes {stable_mosaic.version = 14 : i64} {
  func.func @_tc1_body(%arg0: i32, %arg1: memref<1280x128xf32, #tpu.memory_space<vmem>>, %arg2: memref<128x64xf32, #tpu.memory_space<vmem>>, %arg3: memref<2x1280xf32, #tpu.memory_space<vmem>>, %arg4: memref<1280x64xf32, #tpu.memory_space<vmem>>, %arg5: memref<1280x1xf32, #tpu.memory_space<vmem>>) attributes {dimension_semantics = [#tpu.dimension_semantics<arbitrary>], iteration_bounds = array<i64: 8>, scalar_prefetch = 0 : i64, scratch_operands = 0 : i64, tpu.core_type = #tpu.core_type<tc>, window_params = [{transform_indices = @transform_0, window_bounds = array<i64: 1280, 128>}, {pipeline_mode = #tpu.pipeline_mode<synchronous>, transform_indices = @transform_1, window_bounds = array<i64: 128, 64>}, {transform_indices = @transform_2, window_bounds = array<i64: 2, 1280>}, {transform_indices = @transform_3, window_bounds = array<i64: 1280, 64>}, {transform_indices = @transform_4, window_bounds = array<i64: 1280, 1>}]} {
    %get3A = arith.constant 0 : index
    %get3A_0 = arith.constant 0 : index
    %get3A_1 = vector.load %arg3[%get3A, %get3A_0] : memref<2x1280xf32, #tpu.memory_space<vmem>>, vector<1x1280xf32>
    %get3A_2 = vector.shape_cast %get3A_1 : vector<1x1280xf32> to vector<1280xf32>
    %get3A_3 = arith.constant 1 : index
    %get3A_4 = arith.constant 0 : index
    %get3A_5 = vector.load %arg3[%get3A_3, %get3A_4] : memref<2x1280xf32, #tpu.memory_space<vmem>>, vector<1x1280xf32>
    %get3A_6 = vector.shape_cast %get3A_5 : vector<1x1280xf32> to vector<1280xf32>
    %add3A = arith.addf %get3A_2, %get3A_6 : vector<1280xf32>
    %add3A_7 = arith.constant 1.000000e+00 : f32
    %add3A_8 = vector.broadcast %add3A_7 : f32 to vector<1280xf32>
    %add3A_9 = arith.addf %add3A, %add3A_8 : vector<1280xf32>
    %rsqrt3A = math.rsqrt %add3A_9 : vector<1280xf32>
    %broadcast_in_dim3A = vector.shape_cast %rsqrt3A : vector<1280xf32> to vector<1280x1xf32>
    %get3A_10 = arith.constant 0 : index
    %get3A_11 = arith.constant 0 : index
    %get3A_12 = vector.load %arg1[%get3A_10, %get3A_11] : memref<1280x128xf32, #tpu.memory_space<vmem>>, vector<1280x128xf32>
    %get3A_13 = arith.constant 0 : index
    %get3A_14 = arith.constant 0 : index
    %get3A_15 = vector.load %arg2[%get3A_13, %get3A_14] : memref<128x64xf32, #tpu.memory_space<vmem>>, vector<128x64xf32>
    %dot_general3A = arith.constant dense<0.000000e+00> : vector<1280x64xf32>
    %dot_general3A_16 = tpu.matmul %get3A_12, %get3A_15, %dot_general3A {dimension_numbers = #tpu.dot_dimension_numbers<[1], [0], [0], [1], [0, 0, 1, 1], [], []>, transpose_lhs_hint = false} : vector<1280x128xf32>, vector<128x64xf32>, vector<1280x64xf32> -> vector<1280x64xf32>
    %mul3A = vector.broadcast %broadcast_in_dim3A : vector<1280x1xf32> to vector<1280x64xf32>
    %mul3A_17 = arith.mulf %dot_general3A_16, %mul3A : vector<1280x64xf32>
    %swap3A = arith.constant 0 : index
    %swap3A_18 = arith.constant 0 : index
    %swap3A_19 = vector.load %arg4[%swap3A, %swap3A_18] : memref<1280x64xf32, #tpu.memory_space<vmem>>, vector<1280x64xf32>
    tpu.vector_store %arg4[%swap3A, %swap3A_18], %mul3A_17 {strides = array<i32>} : memref<1280x64xf32, #tpu.memory_space<vmem>>, vector<1280x64xf32>,
    %swap3A_20 = arith.constant 0 : index
    %swap3A_21 = arith.constant 0 : index
    %swap3A_22 = vector.load %arg5[%swap3A_20, %swap3A_21] : memref<1280x1xf32, #tpu.memory_space<vmem>>, vector<1280x1xf32>
    tpu.vector_store %arg5[%swap3A_20, %swap3A_21], %broadcast_in_dim3A {strides = array<i32>} : memref<1280x1xf32, #tpu.memory_space<vmem>>, vector<1280x1xf32>,
    return
  }
  func.func @transform_0(%arg0: i32) -> (i32, i32) {
    %c0_i32 = arith.constant 0 : i32
    %c0_i32_0 = arith.constant 0 : i32
    return %arg0, %c0_i32 : i32, i32
  }
  func.func @transform_1(%arg0: i32) -> (i32, i32) {
    %c0_i32 = arith.constant 0 : i32
    %c0_i32_0 = arith.constant 0 : i32
    %c0_i32_1 = arith.constant 0 : i32
    return %c0_i32, %c0_i32_0 : i32, i32
  }
  func.func @transform_2(%arg0: i32) -> (i32, i32) {
    %c0_i32 = arith.constant 0 : i32
    %c0_i32_0 = arith.constant 0 : i32
    return %c0_i32, %arg0 : i32, i32
  }
  func.func @transform_3(%arg0: i32) -> (i32, i32) {
    %c0_i32 = arith.constant 0 : i32
    %c0_i32_0 = arith.constant 0 : i32
    return %arg0, %c0_i32 : i32, i32
  }
  func.func @transform_4(%arg0: i32) -> (i32, i32) {
    %c0_i32 = arith.constant 0 : i32
    %c0_i32_0 = arith.constant 0 : i32
    return %arg0, %c0_i32 : i32, i32
  }
}

module attributes {stable_mosaic.version = 14 : i64} {
  func.func @_tc2_body(%arg0: i32, %arg1: memref<2x1280x64xf32, #tpu.memory_space<vmem>>, %arg2: memref<1280x64xf32, #tpu.memory_space<vmem>>, %arg3: memref<1280x1xf32, #tpu.memory_space<vmem>>, %arg4: memref<1x64xf32, #tpu.memory_space<vmem>>, %arg5: memref<64x64xf32, #tpu.memory_space<vmem>>, %arg6: memref<1280x64xf32, #tpu.memory_space<vmem>>) attributes {dimension_semantics = [#tpu.dimension_semantics<arbitrary>], iteration_bounds = array<i64: 8>, scalar_prefetch = 0 : i64, scratch_operands = 0 : i64, tpu.core_type = #tpu.core_type<tc>, window_params = [{transform_indices = @transform_0, window_bounds = array<i64: 2, 1280, 64>}, {transform_indices = @transform_1, window_bounds = array<i64: 1280, 64>}, {transform_indices = @transform_2, window_bounds = array<i64: 1280, 1>}, {pipeline_mode = #tpu.pipeline_mode<synchronous>, transform_indices = @transform_3, window_bounds = array<i64: 1, 64>}, {pipeline_mode = #tpu.pipeline_mode<synchronous>, transform_indices = @transform_4, window_bounds = array<i64: 64, 64>}, {transform_indices = @transform_5, window_bounds = array<i64: 1280, 64>}]} {
    %get3A = arith.constant 0 : index
    %get3A_0 = arith.constant 0 : index
    %get3A_1 = vector.load %arg3[%get3A, %get3A_0] : memref<1280x1xf32, #tpu.memory_space<vmem>>, vector<1280x1xf32>
    %get3A_2 = arith.constant 0 : index
    %get3A_3 = arith.constant 0 : index
    %get3A_4 = arith.constant 0 : index
    %get3A_5 = vector.load %arg1[%get3A_2, %get3A_3, %get3A_4] : memref<2x1280x64xf32, #tpu.memory_space<vmem>>, vector<1x1280x64xf32>
    %get3A_6 = vector.shape_cast %get3A_5 : vector<1x1280x64xf32> to vector<1280x64xf32>
    %get3A_7 = arith.constant 1 : index
    %get3A_8 = arith.constant 0 : index
    %get3A_9 = arith.constant 0 : index
    %get3A_10 = vector.load %arg1[%get3A_7, %get3A_8, %get3A_9] : memref<2x1280x64xf32, #tpu.memory_space<vmem>>, vector<1x1280x64xf32>
    %get3A_11 = vector.shape_cast %get3A_10 : vector<1x1280x64xf32> to vector<1280x64xf32>
    %add3A = arith.addf %get3A_6, %get3A_11 : vector<1280x64xf32>
    %get3A_12 = arith.constant 0 : index
    %get3A_13 = arith.constant 0 : index
    %get3A_14 = vector.load %arg2[%get3A_12, %get3A_13] : memref<1280x64xf32, #tpu.memory_space<vmem>>, vector<1280x64xf32>
    %add3A_15 = arith.addf %add3A, %get3A_14 : vector<1280x64xf32>
    %mul3A = vector.broadcast %get3A_1 : vector<1280x1xf32> to vector<1280x64xf32>
    %mul3A_16 = arith.mulf %mul3A, %add3A_15 : vector<1280x64xf32>
    %get3A_17 = arith.constant 0 : index
    %get3A_18 = arith.constant 0 : index
    %get3A_19 = vector.load %arg4[%get3A_17, %get3A_18] : memref<1x64xf32, #tpu.memory_space<vmem>>, vector<1x64xf32>
    %add3A_20 = vector.broadcast %get3A_19 : vector<1x64xf32> to vector<1280x64xf32>
    %add3A_21 = arith.addf %mul3A_16, %add3A_20 : vector<1280x64xf32>
    %max3A = arith.constant 0.000000e+00 : f32
    %max3A_22 = vector.broadcast %max3A : f32 to vector<1280x64xf32>
    %max3A_23 = arith.maximumf %add3A_21, %max3A_22 : vector<1280x64xf32>
    %get3A_24 = arith.constant 0 : index
    %get3A_25 = arith.constant 0 : index
    %get3A_26 = vector.load %arg5[%get3A_24, %get3A_25] : memref<64x64xf32, #tpu.memory_space<vmem>>, vector<64x64xf32>
    %dot_general3A = arith.constant dense<0.000000e+00> : vector<1280x64xf32>
    %dot_general3A_27 = tpu.matmul %max3A_23, %get3A_26, %dot_general3A {dimension_numbers = #tpu.dot_dimension_numbers<[1], [0], [0], [1], [0, 0, 1, 1], [], []>, transpose_lhs_hint = false} : vector<1280x64xf32>, vector<64x64xf32>, vector<1280x64xf32> -> vector<1280x64xf32>
    %mul3A_28 = vector.broadcast %get3A_1 : vector<1280x1xf32> to vector<1280x64xf32>
    %mul3A_29 = arith.mulf %dot_general3A_27, %mul3A_28 : vector<1280x64xf32>
    %swap3A = arith.constant 0 : index
    %swap3A_30 = arith.constant 0 : index
    %swap3A_31 = vector.load %arg6[%swap3A, %swap3A_30] : memref<1280x64xf32, #tpu.memory_space<vmem>>, vector<1280x64xf32>
    tpu.vector_store %arg6[%swap3A, %swap3A_30], %mul3A_29 {strides = array<i32>} : memref<1280x64xf32, #tpu.memory_space<vmem>>, vector<1280x64xf32>,
    return
  }
  func.func @transform_0(%arg0: i32) -> (i32, i32, i32) {
    %c0_i32 = arith.constant 0 : i32
    %c0_i32_0 = arith.constant 0 : i32
    %c0_i32_1 = arith.constant 0 : i32
    return %c0_i32, %arg0, %c0_i32_0 : i32, i32, i32
  }
  func.func @transform_1(%arg0: i32) -> (i32, i32) {
    %c0_i32 = arith.constant 0 : i32
    %c0_i32_0 = arith.constant 0 : i32
    return %arg0, %c0_i32 : i32, i32
  }
  func.func @transform_2(%arg0: i32) -> (i32, i32) {
    %c0_i32 = arith.constant 0 : i32
    %c0_i32_0 = arith.constant 0 : i32
    return %arg0, %c0_i32 : i32, i32
  }
  func.func @transform_3(%arg0: i32) -> (i32, i32) {
    %c0_i32 = arith.constant 0 : i32
    %c0_i32_0 = arith.constant 0 : i32
    %c0_i32_1 = arith.constant 0 : i32
    return %c0_i32, %c0_i32_0 : i32, i32
  }
  func.func @transform_4(%arg0: i32) -> (i32, i32) {
    %c0_i32 = arith.constant 0 : i32
    %c0_i32_0 = arith.constant 0 : i32
    %c0_i32_1 = arith.constant 0 : i32
    return %c0_i32, %c0_i32_0 : i32, i32
  }
  func.func @transform_5(%arg0: i32) -> (i32, i32) {
    %c0_i32 = arith.constant 0 : i32
    %c0_i32_0 = arith.constant 0 : i32
    return %arg0, %c0_i32 : i32, i32
  }
}

module attributes {stable_mosaic.version = 14 : i64} {
  func.func @_tc3_body(%arg0: i32, %arg1: memref<2x1280x64xf32, #tpu.memory_space<vmem>>, %arg2: memref<1280x64xf32, #tpu.memory_space<vmem>>, %arg3: memref<1280x1xf32, #tpu.memory_space<vmem>>, %arg4: memref<1x64xf32, #tpu.memory_space<vmem>>, %arg5: memref<1280x1xi32, #tpu.memory_space<vmem>>, %arg6: memref<64x10xf32, #tpu.memory_space<vmem>>, %arg7: memref<1x10xf32, #tpu.memory_space<vmem>>, %arg8: memref<128x10xf32, #tpu.memory_space<vmem>>, %arg9: memref<128x64xf32, #tpu.memory_space<vmem>>, %arg10: memref<128x1xf32, #tpu.memory_space<vmem>>) attributes {dimension_semantics = [#tpu.dimension_semantics<arbitrary>], iteration_bounds = array<i64: 8>, scalar_prefetch = 0 : i64, scratch_operands = 2 : i64, tpu.core_type = #tpu.core_type<tc>, window_params = [{transform_indices = @transform_0, window_bounds = array<i64: 2, 1280, 64>}, {transform_indices = @transform_1, window_bounds = array<i64: 1280, 64>}, {transform_indices = @transform_2, window_bounds = array<i64: 1280, 1>}, {pipeline_mode = #tpu.pipeline_mode<synchronous>, transform_indices = @transform_3, window_bounds = array<i64: 1, 64>}, {transform_indices = @transform_4, window_bounds = array<i64: 1280, 1>}, {pipeline_mode = #tpu.pipeline_mode<synchronous>, transform_indices = @transform_5, window_bounds = array<i64: 64, 10>}, {pipeline_mode = #tpu.pipeline_mode<synchronous>, transform_indices = @transform_6, window_bounds = array<i64: 1, 10>}, {pipeline_mode = #tpu.pipeline_mode<synchronous>, transform_indices = @transform_7, window_bounds = array<i64: 128, 10>}]} {
    %eq3A = arith.constant 0 : i32
    %eq3A_0 = arith.cmpi eq, %arg0, %eq3A : i32
    %convert_element_type3A = arith.extui %eq3A_0 : i1 to i32
    %cond3A = arith.constant 0 : i32
    %cond3A_1 = arith.cmpi ne, %convert_element_type3A, %cond3A : i32
    scf.if %cond3A_1 {
      %broadcast_in_dim3A_71 = arith.constant 0.000000e+00 : f32
      %broadcast_in_dim3A_72 = vector.broadcast %broadcast_in_dim3A_71 : f32 to vector<128x64xf32>
      %swap3A_73 = arith.constant 0 : index
      %swap3A_74 = arith.constant 0 : index
      %swap3A_75 = vector.load %arg9[%swap3A_73, %swap3A_74] : memref<128x64xf32, #tpu.memory_space<vmem>>, vector<128x64xf32>
      tpu.vector_store %arg9[%swap3A_73, %swap3A_74], %broadcast_in_dim3A_72 {strides = array<i32>} : memref<128x64xf32, #tpu.memory_space<vmem>>, vector<128x64xf32>,
      %broadcast_in_dim3A_76 = arith.constant 0.000000e+00 : f32
      %broadcast_in_dim3A_77 = vector.broadcast %broadcast_in_dim3A_76 : f32 to vector<128x1xf32>
      %swap3A_78 = arith.constant 0 : index
      %swap3A_79 = arith.constant 0 : index
      %swap3A_80 = vector.load %arg10[%swap3A_78, %swap3A_79] : memref<128x1xf32, #tpu.memory_space<vmem>>, vector<128x1xf32>
      tpu.vector_store %arg10[%swap3A_78, %swap3A_79], %broadcast_in_dim3A_77 {strides = array<i32>} : memref<128x1xf32, #tpu.memory_space<vmem>>, vector<128x1xf32>,
    } else {
    }
    %get3A = arith.constant 0 : index
    %get3A_2 = arith.constant 0 : index
    %get3A_3 = vector.load %arg3[%get3A, %get3A_2] : memref<1280x1xf32, #tpu.memory_space<vmem>>, vector<1280x1xf32>
    %get3A_4 = arith.constant 0 : index
    %get3A_5 = arith.constant 0 : index
    %get3A_6 = arith.constant 0 : index
    %get3A_7 = vector.load %arg1[%get3A_4, %get3A_5, %get3A_6] : memref<2x1280x64xf32, #tpu.memory_space<vmem>>, vector<1x1280x64xf32>
    %get3A_8 = vector.shape_cast %get3A_7 : vector<1x1280x64xf32> to vector<1280x64xf32>
    %get3A_9 = arith.constant 1 : index
    %get3A_10 = arith.constant 0 : index
    %get3A_11 = arith.constant 0 : index
    %get3A_12 = vector.load %arg1[%get3A_9, %get3A_10, %get3A_11] : memref<2x1280x64xf32, #tpu.memory_space<vmem>>, vector<1x1280x64xf32>
    %get3A_13 = vector.shape_cast %get3A_12 : vector<1x1280x64xf32> to vector<1280x64xf32>
    %add3A = arith.addf %get3A_8, %get3A_13 : vector<1280x64xf32>
    %get3A_14 = arith.constant 0 : index
    %get3A_15 = arith.constant 0 : index
    %get3A_16 = vector.load %arg2[%get3A_14, %get3A_15] : memref<1280x64xf32, #tpu.memory_space<vmem>>, vector<1280x64xf32>
    %add3A_17 = arith.addf %add3A, %get3A_16 : vector<1280x64xf32>
    %mul3A = vector.broadcast %get3A_3 : vector<1280x1xf32> to vector<1280x64xf32>
    %mul3A_18 = arith.mulf %mul3A, %add3A_17 : vector<1280x64xf32>
    %get3A_19 = arith.constant 0 : index
    %get3A_20 = arith.constant 0 : index
    %get3A_21 = vector.load %arg4[%get3A_19, %get3A_20] : memref<1x64xf32, #tpu.memory_space<vmem>>, vector<1x64xf32>
    %add3A_22 = vector.broadcast %get3A_21 : vector<1x64xf32> to vector<1280x64xf32>
    %add3A_23 = arith.addf %mul3A_18, %add3A_22 : vector<1280x64xf32>
    %max3A = arith.constant 0.000000e+00 : f32
    %max3A_24 = vector.broadcast %max3A : f32 to vector<1280x64xf32>
    %max3A_25 = arith.maximumf %add3A_23, %max3A_24 : vector<1280x64xf32>
    %mul3A_26 = arith.constant 1280 : i32
    %mul3A_27 = arith.muli %arg0, %mul3A_26 : i32
    %iota3A = tpu.iota {dimensions = array<i32: 0>} : vector<1280x1xi32>
    %add3A_28 = vector.broadcast %mul3A_27 : i32 to vector<1280x1xi32>
    %add3A_29 = arith.addi %add3A_28, %iota3A : vector<1280x1xi32>
    %lt3A = arith.constant 10000 : i32
    %lt3A_30 = vector.broadcast %lt3A : i32 to vector<1280x1xi32>
    %lt3A_31 = arith.cmpi slt, %add3A_29, %lt3A_30 : vector<1280x1xi32>
    %jit3A = arith.constant 0.000000e+00 : f32
    %broadcast_in_dim3A = vector.shape_cast %lt3A_31 : vector<1280x1xi1> to vector<1280x1xi1>
    %broadcast_in_dim3A_32 = vector.broadcast %broadcast_in_dim3A : vector<1280x1xi1> to vector<1280x64xi1>
    %broadcast_in_dim3A_33 = vector.broadcast %jit3A : f32 to vector<1280x64xf32>
    %select_n3A = arith.select %broadcast_in_dim3A_32, %max3A_25, %broadcast_in_dim3A_33 : vector<1280x64xi1>, vector<1280x64xf32>
    %get3A_34 = arith.constant 0 : index
    %get3A_35 = arith.constant 0 : index
    %get3A_36 = vector.load %arg5[%get3A_34, %get3A_35] : memref<1280x1xi32, #tpu.memory_space<vmem>>, vector<1280x1xi32>
    %iota3A_37 = tpu.iota {dimensions = array<i32: 1>} : vector<1x128xi32>
    %eq3A_38 = vector.broadcast %get3A_36 : vector<1280x1xi32> to vector<1280x128xi32>
    %eq3A_39 = vector.broadcast %iota3A_37 : vector<1x128xi32> to vector<1280x128xi32>
    %eq3A_40 = arith.cmpi eq, %eq3A_38, %eq3A_39 : vector<1280x128xi32>
    %convert_element_type3A_41 = arith.extui %eq3A_40 : vector<1280x128xi1> to vector<1280x128xi32>
    %convert_element_type3A_42 = arith.sitofp %convert_element_type3A_41 : vector<1280x128xi32> to vector<1280x128xf32>
    %jit3A_43 = arith.constant 0.000000e+00 : f32
    %broadcast_in_dim3A_44 = vector.shape_cast %lt3A_31 : vector<1280x1xi1> to vector<1280x1xi1>
    %broadcast_in_dim3A_45 = vector.broadcast %broadcast_in_dim3A_44 : vector<1280x1xi1> to vector<1280x128xi1>
    %broadcast_in_dim3A_46 = vector.broadcast %jit3A_43 : f32 to vector<1280x128xf32>
    %select_n3A_47 = arith.select %broadcast_in_dim3A_45, %convert_element_type3A_42, %broadcast_in_dim3A_46 : vector<1280x128xi1>, vector<1280x128xf32>
    %get3A_48 = arith.constant 0 : index
    %get3A_49 = arith.constant 0 : index
    %get3A_50 = vector.load %arg9[%get3A_48, %get3A_49] : memref<128x64xf32, #tpu.memory_space<vmem>>, vector<128x64xf32>
    %dot_general3A = arith.constant dense<0.000000e+00> : vector<128x64xf32>
    %dot_general3A_51 = tpu.matmul %select_n3A_47, %select_n3A, %dot_general3A {dimension_numbers = #tpu.dot_dimension_numbers<[0], [0], [1], [1], [0, 1, 1, 1], [], []>, transpose_lhs_hint = false} : vector<1280x128xf32>, vector<1280x64xf32>, vector<128x64xf32> -> vector<128x64xf32>
    %add3A_52 = arith.addf %get3A_50, %dot_general3A_51 : vector<128x64xf32>
    %swap3A = arith.constant 0 : index
    %swap3A_53 = arith.constant 0 : index
    %swap3A_54 = vector.load %arg9[%swap3A, %swap3A_53] : memref<128x64xf32, #tpu.memory_space<vmem>>, vector<128x64xf32>
    tpu.vector_store %arg9[%swap3A, %swap3A_53], %add3A_52 {strides = array<i32>} : memref<128x64xf32, #tpu.memory_space<vmem>>, vector<128x64xf32>,
    %get3A_55 = arith.constant 0 : index
    %get3A_56 = arith.constant 0 : index
    %get3A_57 = vector.load %arg10[%get3A_55, %get3A_56] : memref<128x1xf32, #tpu.memory_space<vmem>>, vector<128x1xf32>
    %broadcast_in_dim3A_58 = arith.constant 1.000000e+00 : f32
    %broadcast_in_dim3A_59 = vector.broadcast %broadcast_in_dim3A_58 : f32 to vector<1280x1xf32>
    %dot_general3A_60 = arith.constant dense<0.000000e+00> : vector<128x1xf32>
    %dot_general3A_61 = tpu.matmul %select_n3A_47, %broadcast_in_dim3A_59, %dot_general3A_60 {dimension_numbers = #tpu.dot_dimension_numbers<[0], [0], [1], [1], [0, 1, 1, 1], [], []>, transpose_lhs_hint = false} : vector<1280x128xf32>, vector<1280x1xf32>, vector<128x1xf32> -> vector<128x1xf32>
    %add3A_62 = arith.addf %get3A_57, %dot_general3A_61 : vector<128x1xf32>
    %swap3A_63 = arith.constant 0 : index
    %swap3A_64 = arith.constant 0 : index
    %swap3A_65 = vector.load %arg10[%swap3A_63, %swap3A_64] : memref<128x1xf32, #tpu.memory_space<vmem>>, vector<128x1xf32>
    tpu.vector_store %arg10[%swap3A_63, %swap3A_64], %add3A_62 {strides = array<i32>} : memref<128x1xf32, #tpu.memory_space<vmem>>, vector<128x1xf32>,
    %eq3A_66 = arith.constant 7 : i32
    %eq3A_67 = arith.cmpi eq, %arg0, %eq3A_66 : i32
    %convert_element_type3A_68 = arith.extui %eq3A_67 : i1 to i32
    %cond3A_69 = arith.constant 0 : i32
    %cond3A_70 = arith.cmpi ne, %convert_element_type3A_68, %cond3A_69 : i32
    scf.if %cond3A_70 {
      %get3A_71 = arith.constant 0 : index
      %get3A_72 = arith.constant 0 : index
      %get3A_73 = vector.load %arg10[%get3A_71, %get3A_72] : memref<128x1xf32, #tpu.memory_space<vmem>>, vector<128x1xf32>
      %jit3A_74 = arith.constant 1.000000e+00 : f32
      %max3A_75 = vector.broadcast %jit3A_74 : f32 to vector<128x1xf32>
      %max3A_76 = arith.maximumf %max3A_75, %get3A_73 : vector<128x1xf32>
      %get3A_77 = arith.constant 0 : index
      %get3A_78 = arith.constant 0 : index
      %get3A_79 = vector.load %arg9[%get3A_77, %get3A_78] : memref<128x64xf32, #tpu.memory_space<vmem>>, vector<128x64xf32>
      %div3A = vector.broadcast %max3A_76 : vector<128x1xf32> to vector<128x64xf32>
      %div3A_80 = arith.divf %get3A_79, %div3A : vector<128x64xf32>
      %get3A_81 = arith.constant 0 : index
      %get3A_82 = arith.constant 0 : index
      %get3A_83 = vector.load %arg6[%get3A_81, %get3A_82] : memref<64x10xf32, #tpu.memory_space<vmem>>, vector<64x10xf32>
      %dot_general3A_84 = arith.constant dense<0.000000e+00> : vector<128x10xf32>
      %dot_general3A_85 = tpu.matmul %div3A_80, %get3A_83, %dot_general3A_84 {dimension_numbers = #tpu.dot_dimension_numbers<[1], [0], [0], [1], [0, 0, 1, 1], [], []>, transpose_lhs_hint = false} : vector<128x64xf32>, vector<64x10xf32>, vector<128x10xf32> -> vector<128x10xf32>
      %get3A_86 = arith.constant 0 : index
      %get3A_87 = arith.constant 0 : index
      %get3A_88 = vector.load %arg7[%get3A_86, %get3A_87] : memref<1x10xf32, #tpu.memory_space<vmem>>, vector<1x10xf32>
      %add3A_89 = vector.broadcast %get3A_88 : vector<1x10xf32> to vector<128x10xf32>
      %add3A_90 = arith.addf %dot_general3A_85, %add3A_89 : vector<128x10xf32>
      %reduce_max3A = arith.constant dense<0xFF800000> : vector<128xf32>
      %reduce_max3A_91 = vector.multi_reduction <maximumf>, %add3A_90, %reduce_max3A [1] : vector<128x10xf32> to vector<128xf32>
      %broadcast_in_dim3A_92 = vector.shape_cast %reduce_max3A_91 : vector<128xf32> to vector<128x1xf32>
      %sub3A = vector.broadcast %broadcast_in_dim3A_92 : vector<128x1xf32> to vector<128x10xf32>
      %sub3A_93 = arith.subf %add3A_90, %sub3A : vector<128x10xf32>
      %exp3A = math.exp %sub3A_93 : vector<128x10xf32>
      %reduce_sum3A = arith.constant dense<0.000000e+00> : vector<128xf32>
      %reduce_sum3A_94 = vector.multi_reduction <add>, %exp3A, %reduce_sum3A [1] : vector<128x10xf32> to vector<128xf32>
      %broadcast_in_dim3A_95 = vector.shape_cast %reduce_sum3A_94 : vector<128xf32> to vector<128x1xf32>
      %log3A = math.log %broadcast_in_dim3A_95 : vector<128x1xf32>
      %sub3A_96 = vector.broadcast %log3A : vector<128x1xf32> to vector<128x10xf32>
      %sub3A_97 = arith.subf %sub3A_93, %sub3A_96 : vector<128x10xf32>
      %swap3A_98 = arith.constant 0 : index
      %swap3A_99 = arith.constant 0 : index
      %swap3A_100 = vector.load %arg8[%swap3A_98, %swap3A_99] : memref<128x10xf32, #tpu.memory_space<vmem>>, vector<128x10xf32>
      tpu.vector_store %arg8[%swap3A_98, %swap3A_99], %sub3A_97 {strides = array<i32>} : memref<128x10xf32, #tpu.memory_space<vmem>>, vector<128x10xf32>,
    } else {
    }
    return
  }
  func.func @transform_0(%arg0: i32) -> (i32, i32, i32) {
    %c0_i32 = arith.constant 0 : i32
    %c0_i32_0 = arith.constant 0 : i32
    %c0_i32_1 = arith.constant 0 : i32
    return %c0_i32, %arg0, %c0_i32_0 : i32, i32, i32
  }
  func.func @transform_1(%arg0: i32) -> (i32, i32) {
    %c0_i32 = arith.constant 0 : i32
    %c0_i32_0 = arith.constant 0 : i32
    return %arg0, %c0_i32 : i32, i32
  }
  func.func @transform_2(%arg0: i32) -> (i32, i32) {
    %c0_i32 = arith.constant 0 : i32
    %c0_i32_0 = arith.constant 0 : i32
    return %arg0, %c0_i32 : i32, i32
  }
  func.func @transform_3(%arg0: i32) -> (i32, i32) {
    %c0_i32 = arith.constant 0 : i32
    %c0_i32_0 = arith.constant 0 : i32
    %c0_i32_1 = arith.constant 0 : i32
    return %c0_i32, %c0_i32_0 : i32, i32
  }
  func.func @transform_4(%arg0: i32) -> (i32, i32) {
    %c0_i32 = arith.constant 0 : i32
    %c0_i32_0 = arith.constant 0 : i32
    return %arg0, %c0_i32 : i32, i32
  }
  func.func @transform_5(%arg0: i32) -> (i32, i32) {
    %c0_i32 = arith.constant 0 : i32
    %c0_i32_0 = arith.constant 0 : i32
    %c0_i32_1 = arith.constant 0 : i32
    return %c0_i32, %c0_i32_0 : i32, i32
  }
  func.func @transform_6(%arg0: i32) -> (i32, i32) {
    %c0_i32 = arith.constant 0 : i32
    %c0_i32_0 = arith.constant 0 : i32
    %c0_i32_1 = arith.constant 0 : i32
    return %c0_i32, %c0_i32_0 : i32, i32
  }
  func.func @transform_7(%arg0: i32) -> (i32, i32) {
    %c0_i32 = arith.constant 0 : i32
    %c0_i32_0 = arith.constant 0 : i32
    %c0_i32_1 = arith.constant 0 : i32
    return %c0_i32, %c0_i32_0 : i32, i32
  }
}

</mosaic_0001>

<sc_bundles>
// kernel: _run.11.cloned.1.call-start
scs
__scs_entry_jumppad:
0x0: {  	(pc) =	sbr.rel $0x88, $3  }
0x1: {  	(tag) =	ssettag $0x0;
	lr =	simm.s32 $0x1  }
0x2: {  	[smem:$0x3F98] =	sst lr;
	_ =	strace $0xD0000000  }
0x3: {  	_ = 	snop  }
0x4: {  	_ = 	snop  }
0x5: {  	_ = 	snop  }
0x6: {  	_ = 	snop  }
0x7: {  	_ = 	snop  }
__scs_overlays_trampoline_lowered:
0x8: {  	[smem:$0x3FA7] =	sst s0  }
0x9: {  	[smem:$0x3FA8] =	sst s1  }
0xa: {  	[smem:$0x3FA9] =	sst s2  }
0xb: {  	[smem:$0x3FAA] =	sst s3  }
0xc: {  	[smem:$0x3FAB] =	sst s4  }
0xd: {  	[smem:$0x3FAC] =	sst s5  }
0xe: {  	[smem:$0x3FAD] =	sst s6  }
0xf: {  	[smem:$0x3FAE] =	sst s7  }
0x10: {  	[smem:$0x3FAF] =	sst s8  }
0x11: {  	[smem:$0x3FB0] =	sst s9;
	s0 =	simm.s32 @!p0 $0x0  }
0x12: {  	s1 =	sld [smem:$0x3F96];
	s0 =	simm.s32 @p0 $0x1  }
0x13: {  	[smem:$0x3FB1] =	sst s0;
	s0 =	simm.s32 @!p1 $0x0  }
0x14: {  	s2 =	sld [smem:$0x3F95];
	s0 =	simm.s32 @p1 $0x1  }
0x15: {  	[smem:$0x3FB2] =	sst s0;
	s0 =	simm.s32 @!p2 $0x0  }
0x16: {  	s3 =	sld [smem:$0x3FDB];
	s0 =	simm.s32 @p2 $0x1  }
0x17: {  	s4 =	simm.s32 $0x1BF5;
	[smem:$0x3FB4] =	sst s0  }
0x18: {  	s0 =	sld [smem:$0x3F97];
	_ =	swait.ge [sflag:s4], $0x0  }
0x19: {  	s7 =	sld [smem:$0x3F98]  }
0x1a: {  	s8 =	sadd.s32 $0xFFFFE003, lr  }
0x1b: {  	s9 =	sadd.s32 $0xFFFFFEF7, lr;
	s5 =	simm.s32 $0xFFFFFFFF;
	p2 =	slt.u32 s8, $0xFFFFF086  }
0x1c: {  	p1 =	slt.u32 s9, $0xF7A;
	s5 =	simm.s32 @!p2 $0x0  }
0x1d: {  	s5 =	simm.s32 @p1 $0x1;
	p0 =	seq.s32 s7, s2  }
0x1e: {  	s7 =	smul.u32 @!p0 $0xF7A, s2;
	p2 =	seq.s32 @!p0 s5, $0x0  }
0x1f: {  	s9 =	smul.u32 $0xF7A, s1;
	s8 =	simm.s32 @!p0 $0x1BF5;
	p2 =	por !p2, p0  }
0x20: {  	[sflag:s8] =	ssyncset.s32 @!p0 $0xFFFFF086;
	s6 =	sadd.s32 @!p0 s3, s7;
	s7 =	simm.s32 @!p0 $0x108  }
0x21: {  	s3 =	sadd.s32 s3, s9;
	s6 =	sadd.s32 @!p0 $0x88, s6;
	s7 =	simm.s32 @p2 $0x1082  }
0x22: {  	[simem:s7], [sflag:s8] =	dma.local @!p0 [hbm:s6], $0xF7A  }
0x23: {  	s9 =	sor.u32 $0xD0000000, s2;
	s6 =	simm.s32 $0x108;
	_ =	swait.ge @!p0 [sflag:s8], $0x0  }
0x24: {  	s3 =	sadd.s32 $0x88, s3;
	s6 =	simm.s32 @!p1 $0x1082;
	[sflag:s4] =	ssyncset.s32 $0xFFFFF086  }
0x25: {  	[simem:s6], [sflag:s4] =	dma.local [hbm:s3], $0xF7A  }
0x26: {  	[smem:$0x3F98] =	sst s1;
	(tag) =	ssettag s2;
	_ =	strace s9  }
0x27: {  	s1 =	sld [smem:$0x3FA8]  }
0x28: {  	s2 =	sld [smem:$0x3FA9]  }
0x29: {  	s4 =	sld [smem:$0x3FAB]  }
0x2a: {  	p0 =	seq.s32 s5, $0x0;
	s5 =	sld [smem:$0x3FAC]  }
0x2b: {  	s6 =	sld [smem:$0x3FAD]  }
0x2c: {  	s7 =	sld [smem:$0x3FAE]  }
0x2d: {  	s3 =	simm.s32 $0x108;
	s8 =	sld [smem:$0x3FAF]  }
0x2e: {  	s3 =	simm.s32 @!p0 $0x1082;
	s9 =	sld [smem:$0x3FB0]  }
0x2f: {  	lr =	sadd.s32 s0, s3;
	s0 =	sld [smem:$0x3FA7]  }
0x30: {  	s3 =	sld [smem:$0x3FAA]  }
0x31: {  	[smem:$0x3FB3] =	sst s10  }
0x32: {  	s10 =	sld [smem:$0x3FB1];
	_ =	sdelay $0x3  }
0x33: {  	p0 =	seq.s32 s10, $0x1;
	s10 =	sld [smem:$0x3FB3];
	_ =	sdelay $0x3  }
0x34: {  	[smem:$0x3FB3] =	sst s10  }
0x35: {  	s10 =	sld [smem:$0x3FB2];
	_ =	sdelay $0x3  }
0x36: {  	p1 =	seq.s32 s10, $0x1;
	s10 =	sld [smem:$0x3FB3];
	_ =	sdelay $0x3  }
0x37: {  	[smem:$0x3FB3] =	sst s10  }
0x38: {  	s10 =	sld [smem:$0x3FB4]  }
0x39: {  	_ = 	snop;
	(pc) =	sbr.ind lr, $3  }
0x3a: {  	_ = 	snop  }
0x3b: {  	_ = 	snop  }
0x3c: {  	p2 =	seq.s32 s10, $0x1;
	s10 =	sld [smem:$0x3FB3]  }
0x3d: {  	_ =	shalt  }
0x3e: {  	_ =	shalt  }
0x3f: {  	_ =	shalt  }
0x40: {  	_ =	shalt  }
0x41: {  	_ =	shalt  }
0x42: {  	_ =	shalt  }
0x43: {  	_ =	shalt  }
0x44: {  	_ =	shalt  }
0x45: {  	_ =	shalt  }
0x46: {  	_ =	shalt  }
0x47: {  	_ =	shalt  }
0x48: {  	_ =	shalt  }
0x49: {  	_ =	shalt  }
0x4a: {  	_ =	shalt  }
0x4b: {  	_ =	shalt  }
0x4c: {  	_ =	shalt  }
0x4d: {  	_ =	shalt  }
0x4e: {  	_ =	shalt  }
0x4f: {  	_ =	shalt  }
0x50: {  	_ =	shalt  }
0x51: {  	_ =	shalt  }
0x52: {  	_ =	shalt  }
0x53: {  	_ =	shalt  }
0x54: {  	_ =	shalt  }
0x55: {  	_ =	shalt  }
0x56: {  	_ =	shalt  }
0x57: {  	_ =	shalt  }
0x58: {  	_ =	shalt  }
0x59: {  	_ =	shalt  }
0x5a: {  	_ =	shalt  }
0x5b: {  	_ =	shalt  }
0x5c: {  	_ =	shalt  }
0x5d: {  	_ =	shalt  }
0x5e: {  	_ =	shalt  }
0x5f: {  	_ =	shalt  }
0x60: {  	_ =	shalt  }
0x61: {  	_ =	shalt  }
0x62: {  	_ =	shalt  }
0x63: {  	_ =	shalt  }
0x64: {  	_ =	shalt  }
0x65: {  	_ =	shalt  }
0x66: {  	_ =	shalt  }
0x67: {  	_ =	shalt  }
0x68: {  	_ =	shalt  }
0x69: {  	_ =	shalt  }
0x6a: {  	_ =	shalt  }
0x6b: {  	_ =	shalt  }
0x6c: {  	_ =	shalt  }
0x6d: {  	_ =	shalt  }
0x6e: {  	_ =	shalt  }
0x6f: {  	_ =	shalt  }
0x70: {  	_ =	shalt  }
0x71: {  	_ =	shalt  }
0x72: {  	_ =	shalt  }
0x73: {  	_ =	shalt  }
0x74: {  	_ =	shalt  }
0x75: {  	_ =	shalt  }
0x76: {  	_ =	shalt  }
0x77: {  	_ =	shalt  }
0x78: {  	_ =	shalt  }
0x79: {  	_ =	shalt  }
0x7a: {  	_ =	shalt  }
0x7b: {  	_ =	shalt  }
0x7c: {  	_ =	shalt  }
0x7d: {  	_ =	shalt  }
0x7e: {  	_ =	shalt  }
0x7f: {  	_ =	shalt  }
0x80: {  	_ =	shalt  }
0x81: {  	_ =	shalt  }
0x82: {  	_ =	shalt  }
0x83: {  	_ =	shalt  }
0x84: {  	_ =	shalt  }
0x85: {  	_ =	shalt  }
0x86: {  	_ =	shalt  }
0x87: {  	_ =	shalt  }
.Lfunc_end0:
.L_simem_size_0:
called_computation.1_lowered:
.L_overlay_start_0:
0x88: {  	s2 =	sld [smem:$0x3FD9]  }
0x89: {  	s3 =	sld [smem:$0x3FFE];
	_ =	sdelay $0x1  }
0x8a: {  	s1 =	srdreg.scid  }
0x8b: {  	s0 =	sand.u32 $0x1, s1  }
0x8c: {  	s16 =	sshll.u32 s0, $0xA;
	s2 =	sadd.s32 s3, s2  }
0x8d: {  	s2 =	sadd.s32 s2, s16  }
0x8e: {  	[smem:$0x3FBF] =	sst s2  }
0x8f: {  	_ = 	snop  }
0x90: {  	(tm) =	ssettm $0x1  }
0x91: {  	s17 =	sld [smem:$0x3FFB];
	_ =	sdelay $0x3  }
0x92: {  	_ =	strace s17  }
0x93: {  	s2 =	sld [smem:$0x3FFC];
	_ =	sdelay $0x3  }
0x94: {  	_ =	strace s2  }
0x95: {  	s2 =	sld [smem:$0x3FFD];
	_ =	sdelay $0x3  }
0x96: {  	_ =	strace s2  }
0x97: {  	_ =	strace $0x8FFFFFFF  }
0x98: {  	s18 =	sld [smem:$0x3FDB];
	_ =	sdelay $0x1  }
0x99: {  	s19 =	simm.s32 $_scs_section_size  }
0x9a: {  	s4 =	simm.s32 $_size__tile_overlayer_lowered;
	s5 =	simm.s32 $_tile_overlayer_lowered  }
0x9b: {  	s22 =	simm.s32 $0x1BFF;
	s21 =	sshll.u32 s5, $0x1;
	s2 =	sadd.s32 s19, s18  }
0x9c: {  	s6 =	simm.s32 $0x0;
	s20 =	sshll.u32 s4, $0x1;
	s4 =	sadd.s32 s21, s2  }
0x9d: {  	[timem:s6], [sflag:s22] =	dma.local [hbm:s4], s20  }
0x9e: {  	_ =	swait.ge [sflag:s22], s20  }
0x9f: {  	s3 =	ssub.s32 $0x0, s20;
	[sflag:s22] =	ssyncset.done $0x0  }
0xa0: {  	[sflag:s22] =	ssyncadd.s32 s3;
	_ =	sdelay $0x1  }
0xa1: {  	s23 =	simm.s32 $0x1B8B  }
0xa2: {  	_ =	swait.ge [sflag:s23], $0x1  }
0xa3: {  	[sflag:s23] =	ssyncset.done $0x0  }
0xa4: {  	s25 =	simm.s32 $0x1B8E;
	s24 =	sld [smem:$0x3FFE];
	[sflag:s23] =	ssyncadd.s32 $0xFFFFFFFF  }
0xa5: {  	s26 =	simm.s32 $execute0_lowered;
	[smem:$0x3FD2] =	sst s25  }
0xa6: {  	s4 =	sshll.u32 s26, $0x1;
	_ =	strace $0x80000049;
	[dreg:$0x1] =	wrdreg $0xFFFFFFFF  }
0xa7: {  	s28 =	simm.s32 $_size_execute0_lowered;
	s2 =	sadd.s32 s2, s4;
	[dreg:$0x0] =	wrdreg $0x0  }
0xa8: {  	s4 =	sshll.u32 s28, $0x1;
	[dreg:$0x2] =	wrdreg s2  }
0xa9: {  	[dreg:$0x3] =	wrdreg s4  }
0xaa: {  	[dreg:$0x4] =	wrdreg $0xC0  }
0xab: {  	_ =	task [dreg:s6], $0x5FFFF  }
0xac: {  	[dreg:$0x1] =	wrdreg $0xFFFFFFFF  }
0xad: {  	[dreg:$0x0] =	wrdreg $0x60  }
0xae: {  	[dreg:$0x2] =	wrdreg s24  }
0xaf: {  	[dreg:$0x3] =	wrdreg $0x70000  }
0xb0: {  	[dreg:$0x4] =	wrdreg $0x110000  }
0xb1: {  	[dreg:$0x5] =	wrdreg $0x9  }
0xb2: {  	_ =	task.clear_ibuf [dreg:s6], $0x6FFFF;
	_ =	strace $0x90000049  }
0xb3: {  	s29 =	simm.s32 $0x9;
	_ =	strace $0x8000004B  }
0xb4: {  	_ =	swait.ge [sflag:s29], $0x1  }
0xb5: {  	[sflag:s29] =	ssyncadd.s32 $0xFFFFFFFF  }
0xb6: {  	_ =	strace $0x9000004B  }
0xb7: {  	_ =	sfence  }
0xb8: {  	s30 =	sld [smem:$0x0];
	_ =	sdelay $0x2  }
0xb9: {  	s31 =	sshll.u32 s1, $0xD;
	s1 =	sshrl.u32 s1, $0x2  }
0xba: {  	s3 =	sand.u32 $0x4000, s31;
	s1 =	sadd.s32 s1, s30  }
0xbb: {  	s0 =	sor.u32 s3, s0;
	s1 =	sshll.u32 s1, $0x11  }
0xbc: {  	s0 =	sor.u32 s1, s0  }
0xbd: {  	s0 =	sadd.s32 $0x8F2B, s0  }
0xbe: {  	[sflag:s0] =	ssyncadd.remote.s32 $0x1  }
0xbf: {  	_ =	sfence.sel $0xFFFF  }
0xc0: {  	[dreg:$0x0] =	wrdreg $0xFFFFFFFF;
	(pc) =	sbr.abs _section_cstart, $3  }
0xc1: {  	[dreg:$0x1] =	wrdreg $0xFFFFFFFF  }
0xc2: {  	_ =	task.clear_ibuf [dreg:s6], $0x2FFFF;
	_ =	strace $0x9FFFFFFF  }
0xc3: {  	(tm) =	ssettm $0x7FFFFFFF  }
tec
execute0_lowered:
.L_overlay_start_1:
0x0: {  	(tag) =	ssettag $0x1  }
0x1: {  	s6 =	rddreg [dreg:$0x0]  }
0x2: {  	s2 =	rddreg [dreg:$0x1]  }
0x3: {  	s3 =	rddreg [dreg:$0x2]  }
0x4: {  	s0 =	rddreg [dreg:$0x3];
	s4 =	simm.s32 $0x0  }
0x5: {  	s1 =	stileid.u32;
	s5 =	srdreg.scid;
	s17 =	simm.s32 $0x40  }
0x6: {  	s18 =	simm.s32 $0x5000;
	s19 =	simm.s32 $0x6000;
	s20 =	simm.s32 $0x1  }
0x7: {  	s21 =	simm.s32 $0x2;
	s22 =	simm.s32 $0x27C0;
	s7 =	smul.u32 $0xA000, s1  }
0x8: {  	s23 =	simm.s32 $0x4F80;
	[smem:$0x7FF] =	sst s4;
	s8 =	smul.u32 $0x500, s1  }
0x9: {  	s9 =	sand.u32 $0x1, s5;
	s5 =	sadd.s32 $0x2200, s6;
	s31 =	sshll.u32 s1, $0x6  }
0xa: {  	_ =	strace $0x8000004A;
	s11 =	smul.u32 $0x14000, s9;
	s12 =	ssub.s32 $0x2, s9  }
0xb: {  	p0 =	seq.s32 s9, $0x1;
	s24 =	sshrl.u32 s7, $0x3;
	s13 =	sadd.s32 s8, s6  }
0xc: {  	s30 =	sshrl.u32 s12, $0x1;
	s15 =	sadd.s32 s7, s2;
	s16 =	sadd.s32 s7, s3  }
0xd: {  	s10 =	sadd.s32 s24, s6;
	s14 =	sadd.s32 s11, s6;
	s12 =	ssub.s32 s12, s30  }
.Ltmp0:
0xe: {  	s6 =	sor.u32 $0x1C03, s31;
	s8 =	sadd.s32 $0x1C200, s13;
	(pc) =	sbr.rel .LBB2_1-.Ltmp0, $4  }
0xf: {  	s9 =	sadd.s32 $0x17200, s13;
	s11 =	sadd.s32 $0x12200, s13;
	s7 =	sadd.s32 $0x21200, s10  }
0x10: {  	s10 =	sadd.s32 $0xD200, s13;
	s25 =	sadd.s32 $0x35200, s14;
	s12 =	smax.u32 s12, $0x1  }
0x11: {  	s13 =	sshrl.u32 s15, $0x3;
	s14 =	simm.s32 $0x3;
	s15 =	sshrl.u32 s16, $0x3  }
0x12: {  	s16 =	simm.s32 $0x2800;
	s24 =	sadd.s32 s24, s25;
	s25 =	simm.s32 $0x4FC0  }
.LBB2_7:
0x13: {  	s28 =	sadd.s32 $0x40, s26;
	[sflag:s14] =	ssyncadd.s32 $0xFFFFF000  }
0x14: {  	[tilespmem:s19], [sflag:$0x2] =	stream.indirect.gather [spmem:s3], $0x40, s28, s17, $0xb8;
	[tilespmem:$0x1B000] =	vst v63  }
0x15: {  	_ =	swait.ge [sflag:s20], $0x1000  }
0x16: {  	[sflag:s20] =	ssyncset.done $0x0  }
0x17: {  	s29 =	sadd.s32 $0x2800, s26;
	[sflag:s20] =	ssyncadd.s32 $0xFFFFF000  }
0x18: {  	[spmem:s2] =	stream.indirect.scatter.add.f32 [tilespmem:s18], [sflag:$0x3], $0x40, s29, s17, $0xb8;
	[tilespmem:$0x1B000] =	vst v63  }
0x19: {  	_ =	swait.ge [sflag:s14], $0x1000  }
0x1a: {  	[sflag:s14] =	ssyncset.done $0x0  }
0x1b: {  	s30 =	sadd.s32 $0x80, s26;
	[sflag:s14] =	ssyncadd.s32 $0xFFFFF000  }
0x1c: {  	[tilespmem:s18], [sflag:$0x1] =	stream.indirect.gather [spmem:s3], $0x40, s30, s17, $0xb8;
	[tilespmem:$0x1B000] =	vst v63  }
0x1d: {  	_ =	swait.ge [sflag:s21], $0x1000  }
0x1e: {  	[sflag:s21] =	ssyncset.done $0x0  }
0x1f: {  	s31 =	sadd.s32 $0x2840, s26;
	[sflag:s21] =	ssyncadd.s32 $0xFFFFF000  }
0x20: {  	[spmem:s2] =	stream.indirect.scatter.add.f32 [tilespmem:s19], [sflag:$0x3], $0x40, s31, s17, $0xb8;
	[tilespmem:$0x1B000] =	vst v63  }
0x21: {  	_ =	swait.ge [sflag:s14], $0x1000  }
0x22: {  	[sflag:s14] =	ssyncset.done $0x0  }
0x23: {  	[sflag:s14] =	ssyncadd.s32 $0xFFFFF000  }
.LBB2_8:
0x24: {  	[tilespmem:s19], [sflag:$0x2] =	stream.indirect.gather [spmem:s3], $0x40, s22, s17, $0xb8;
	[tilespmem:$0x1B000] =	vst v63  }
0x25: {  	_ =	swait.ge [sflag:s20], $0x1000  }
0x26: {  	[sflag:s20] =	ssyncset.done $0x0  }
0x27: {  	[sflag:s20] =	ssyncadd.s32 $0xFFFFF000  }
0x28: {  	[spmem:s2] =	stream.indirect.scatter.add.f32 [tilespmem:s18], [sflag:$0x3], $0x40, s23, s17, $0xb8;
	[tilespmem:$0x1B000] =	vst v63  }
0x29: {  	_ =	swait.ge [sflag:s14], $0x1000  }
0x2a: {  	[sflag:s14] =	ssyncset.done $0x0  }
0x2b: {  	[sflag:s14] =	ssyncadd.s32 $0xFFFFF000  }
0x2c: {  	_ =	swait.ge [sflag:s21], $0x1000  }
0x2d: {  	[sflag:s21] =	ssyncset.done $0x0  }
0x2e: {  	[sflag:s21] =	ssyncadd.s32 $0xFFFFF000  }
0x2f: {  	[spmem:s2] =	stream.indirect.scatter.add.f32 [tilespmem:s19], [sflag:$0x3], $0x40, s25, s17, $0xb8;
	[tilespmem:$0x1B000] =	vst v63  }
0x30: {  	_ =	swait.ge [sflag:s14], $0x1000  }
0x31: {  	s4 =	sadd.s32 $0x1, s4;
	[sflag:s14] =	ssyncset.done $0x0  }
0x32: {  	p1 =	sne.s32 s4, s12;
	[sflag:s14] =	ssyncadd.s32 $0xFFFFF000  }
.Ltmp1:
0x33: {  	[bflag:$0x0] =	sbarrier.arrive $0xFFFF;
	(pc) =	sbr.rel @!p1 .LBB2_9-.Ltmp1, $4  }
0x34: {  	[hbm:s24], [sflag:s6] =	dma.local [spmem:s13], $0x1400  }
0x35: {  	_ =	swait.ge [sflag:s14], $0x1400  }
0x36: {  	[sflag:s14] =	ssyncset.done $0x0  }
0x37: {  	[sflag:s14] =	ssyncadd.s32 $0xFFFFEC00  }
.LBB2_1:
0x38: {  	[spmem:s13], [sflag:s6] =	dma.local [hbm:s5], $0x1400  }
0x39: {  	_ =	swait.ge [sflag:s14], $0x1400  }
0x3a: {  	[sflag:s14] =	ssyncset.done $0x0  }
0x3b: {  	[sflag:s14] =	ssyncadd.s32 $0xFFFFEC00  }
0x3c: {  	[spmem:s15], [sflag:s6] =	dma.local [hbm:s7], $0x1400  }
.Ltmp2:
0x3d: {  	_ =	swait.ge [sflag:s14], $0x1400;
	(pc) =	sbr.rel @!p0 .LBB2_2-.Ltmp2, $4  }
0x3e: {  	[sflag:s14] =	ssyncset.done $0x0  }
0x3f: {  	[sflag:s14] =	ssyncadd.s32 $0xFFFFEC00  }
0x40: {  	[bflag:$0x0] =	sbarrier.arrive $0xFFFF  }
0x41: {  	s26 =	simm.s32 $0x0  }
0x42: {  	[tilespmem:s26], [sflag:$0x3] =	stream.linear.gather [hbm4b:s10+s26], $0x2800, $0x38;
	[tilespmem:$0x1B000] =	vst v63  }
0x43: {  	_ =	swait.ge [sflag:s14], $0x2800  }
0x44: {  	[sflag:s14] =	ssyncset.done $0x0  }
0x45: {  	[sflag:s14] =	ssyncadd.s32 $0xFFFFD800  }
0x46: {  	[tilespmem:s16], [sflag:$0x3] =	stream.linear.gather [hbm4b:s11+s26], $0x2800, $0x38;
	[tilespmem:$0x1B000] =	vst v63  }
0x47: {  	_ =	swait.ge [sflag:s14], $0x2800  }
0x48: {  	[sflag:s14] =	ssyncset.done $0x0  }
0x49: {  	[sflag:s14] =	ssyncadd.s32 $0xFFFFD800  }
0x4a: {  	[tilespmem:s18], [sflag:$0x1] =	stream.indirect.gather [spmem:s3], $0x40, s26, s17, $0xb8;
	[tilespmem:$0x1B000] =	vst v63  }
0x4b: {  	s31 =	simm.s32 $0x40  }
0x4c: {  	[tilespmem:s19], [sflag:$0x2] =	stream.indirect.gather [spmem:s3], $0x40, s31, s17, $0xb8;
	[tilespmem:$0x1B000] =	vst v63  }
0x4d: {  	_ =	swait.ge [sflag:s20], $0x1000  }
0x4e: {  	[sflag:s20] =	ssyncset.done $0x0  }
0x4f: {  	s29 =	simm.s32 $0x2800;
	[sflag:s20] =	ssyncadd.s32 $0xFFFFF000  }
0x50: {  	[spmem:s2] =	stream.indirect.scatter.add.f32 [tilespmem:s18], [sflag:$0x3], $0x40, s29, s17, $0xb8;
	[tilespmem:$0x1B000] =	vst v63  }
0x51: {  	_ =	swait.ge [sflag:s14], $0x1000  }
0x52: {  	[sflag:s14] =	ssyncset.done $0x0  }
0x53: {  	s30 =	simm.s32 $0x80;
	[sflag:s14] =	ssyncadd.s32 $0xFFFFF000  }
0x54: {  	[tilespmem:s18], [sflag:$0x1] =	stream.indirect.gather [spmem:s3], $0x40, s30, s17, $0xb8;
	[tilespmem:$0x1B000] =	vst v63  }
0x55: {  	_ =	swait.ge [sflag:s21], $0x1000  }
0x56: {  	[sflag:s21] =	ssyncset.done $0x0  }
0x57: {  	s31 =	simm.s32 $0x2840;
	[sflag:s21] =	ssyncadd.s32 $0xFFFFF000  }
0x58: {  	[spmem:s2] =	stream.indirect.scatter.add.f32 [tilespmem:s19], [sflag:$0x3], $0x40, s31, s17, $0xb8;
	[tilespmem:$0x1B000] =	vst v63  }
0x59: {  	_ =	swait.ge [sflag:s14], $0x1000  }
0x5a: {  	s28 =	simm.s32 $0x400;
	s26 =	simm.s32 $0x80;
	[sflag:s14] =	ssyncset.done $0x0  }
.LBB2_6:
0x5b: {  	s29 =	sadd.s32 $0x40, s26  }
0x5c: {  	[sflag:s14] =	ssyncadd.s32 $0xFFFFF000;
	s30 =	smov.u32 s28;
	s31 =	sadd.s32 $0x200, s28  }
0x5d: {  	[tilespmem:s19], [sflag:$0x2] =	stream.indirect.gather [spmem:s3], $0x40, s29, s17, $0xb8;
	[tilespmem:$0x1B000] =	vst v63  }
0x5e: {  	p1 =	sne.s32 s28, $0x9C00;
	_ =	swait.ge [sflag:s20], $0x1000  }
0x5f: {  	[sflag:s20] =	ssyncset.done $0x0  }
0x60: {  	s28 =	sadd.s32 $0x2800, s26;
	[sflag:s20] =	ssyncadd.s32 $0xFFFFF000  }
0x61: {  	[spmem:s2] =	stream.indirect.scatter.add.f32 [tilespmem:s18], [sflag:$0x3], $0x40, s28, s17, $0xb8;
	[tilespmem:$0x1B000] =	vst v63  }
0x62: {  	_ =	swait.ge [sflag:s14], $0x1000  }
0x63: {  	[sflag:s14] =	ssyncset.done $0x0  }
0x64: {  	s28 =	sadd.s32 $0x80, s26;
	[sflag:s14] =	ssyncadd.s32 $0xFFFFF000  }
0x65: {  	[tilespmem:s18], [sflag:$0x1] =	stream.indirect.gather [spmem:s3], $0x40, s28, s17, $0xb8;
	[tilespmem:$0x1B000] =	vst v63  }
0x66: {  	_ =	swait.ge [sflag:s21], $0x1000  }
.Ltmp3:
0x67: {  	[sflag:s21] =	ssyncset.done $0x0;
	(pc) =	sbr.rel @p1 .LBB2_6-.Ltmp3, $4  }
0x68: {  	s26 =	sadd.s32 $0x2840, s26;
	[sflag:s21] =	ssyncadd.s32 $0xFFFFF000  }
0x69: {  	[spmem:s2] =	stream.indirect.scatter.add.f32 [tilespmem:s19], [sflag:$0x3], $0x40, s26, s17, $0xb8;
	[tilespmem:$0x1B000] =	vst v63  }
0x6a: {  	_ =	swait.ge [sflag:s14], $0x1000  }
0x6b: {  	s28 =	smov.u32 s31;
	s26 =	sshra.s32 s30, $0x2;
	[sflag:s14] =	ssyncset.done $0x0  }
.Ltmp4:
0x6c: {  	_ = 	snop;
	(pc) =	sbr.rel .LBB2_7-.Ltmp4, $1  }
0x6d: {  	_ =	sdelay $0x3  }
.LBB2_2:
0x6e: {  	[tilespmem:s26], [sflag:$0x3] =	stream.linear.gather [hbm4b:s8+s26], $0x2800, $0x38;
	[tilespmem:$0x1B000] =	vst v63  }
0x6f: {  	_ =	swait.ge [sflag:s14], $0x2800  }
0x70: {  	[sflag:s14] =	ssyncset.done $0x0  }
0x71: {  	[sflag:s14] =	ssyncadd.s32 $0xFFFFD800  }
0x72: {  	[tilespmem:s16], [sflag:$0x3] =	stream.linear.gather [hbm4b:s9+s26], $0x2800, $0x38;
	[tilespmem:$0x1B000] =	vst v63  }
0x73: {  	_ =	swait.ge [sflag:s14], $0x2800  }
0x74: {  	[sflag:s14] =	ssyncset.done $0x0  }
0x75: {  	[sflag:s14] =	ssyncadd.s32 $0xFFFFD800  }
0x76: {  	[tilespmem:s18], [sflag:$0x1] =	stream.indirect.gather [spmem:s3], $0x40, s26, s17, $0xb8;
	[tilespmem:$0x1B000] =	vst v63  }
0x77: {  	s31 =	simm.s32 $0x40  }
0x78: {  	[tilespmem:s19], [sflag:$0x2] =	stream.indirect.gather [spmem:s3], $0x40, s31, s17, $0xb8;
	[tilespmem:$0x1B000] =	vst v63  }
0x79: {  	_ =	swait.ge [sflag:s20], $0x1000  }
0x7a: {  	[sflag:s20] =	ssyncset.done $0x0  }
0x7b: {  	s29 =	simm.s32 $0x2800;
	[sflag:s20] =	ssyncadd.s32 $0xFFFFF000  }
0x7c: {  	[spmem:s2] =	stream.indirect.scatter.add.f32 [tilespmem:s18], [sflag:$0x3], $0x40, s29, s17, $0xb8;
	[tilespmem:$0x1B000] =	vst v63  }
0x7d: {  	_ =	swait.ge [sflag:s14], $0x1000  }
0x7e: {  	[sflag:s14] =	ssyncset.done $0x0  }
0x7f: {  	s30 =	simm.s32 $0x80;
	[sflag:s14] =	ssyncadd.s32 $0xFFFFF000  }
0x80: {  	[tilespmem:s18], [sflag:$0x1] =	stream.indirect.gather [spmem:s3], $0x40, s30, s17, $0xb8;
	[tilespmem:$0x1B000] =	vst v63  }
0x81: {  	_ =	swait.ge [sflag:s21], $0x1000  }
0x82: {  	[sflag:s21] =	ssyncset.done $0x0  }
0x83: {  	s31 =	simm.s32 $0x2840;
	[sflag:s21] =	ssyncadd.s32 $0xFFFFF000  }
0x84: {  	[spmem:s2] =	stream.indirect.scatter.add.f32 [tilespmem:s19], [sflag:$0x3], $0x40, s31, s17, $0xb8;
	[tilespmem:$0x1B000] =	vst v63  }
0x85: {  	_ =	swait.ge [sflag:s14], $0x1000  }
0x86: {  	s28 =	simm.s32 $0x400;
	s26 =	simm.s32 $0x80;
	[sflag:s14] =	ssyncset.done $0x0  }
.LBB2_3:
0x87: {  	s29 =	sadd.s32 $0x40, s26  }
0x88: {  	[sflag:s14] =	ssyncadd.s32 $0xFFFFF000;
	s30 =	smov.u32 s28;
	s31 =	sadd.s32 $0x200, s28  }
0x89: {  	[tilespmem:s19], [sflag:$0x2] =	stream.indirect.gather [spmem:s3], $0x40, s29, s17, $0xb8;
	[tilespmem:$0x1B000] =	vst v63  }
0x8a: {  	p1 =	seq.s32 s28, $0x9C00;
	_ =	swait.ge [sflag:s20], $0x1000  }
0x8b: {  	[sflag:s20] =	ssyncset.done $0x0  }
0x8c: {  	s28 =	sadd.s32 $0x2800, s26;
	[sflag:s20] =	ssyncadd.s32 $0xFFFFF000  }
0x8d: {  	[spmem:s2] =	stream.indirect.scatter.add.f32 [tilespmem:s18], [sflag:$0x3], $0x40, s28, s17, $0xb8;
	[tilespmem:$0x1B000] =	vst v63  }
0x8e: {  	_ =	swait.ge [sflag:s14], $0x1000  }
0x8f: {  	[sflag:s14] =	ssyncset.done $0x0  }
0x90: {  	s28 =	sadd.s32 $0x80, s26;
	[sflag:s14] =	ssyncadd.s32 $0xFFFFF000  }
0x91: {  	[tilespmem:s18], [sflag:$0x1] =	stream.indirect.gather [spmem:s3], $0x40, s28, s17, $0xb8;
	[tilespmem:$0x1B000] =	vst v63  }
0x92: {  	_ =	swait.ge [sflag:s21], $0x1000  }
.Ltmp5:
0x93: {  	[sflag:s21] =	ssyncset.done $0x0;
	(pc) =	sbr.rel @!p1 .LBB2_3-.Ltmp5, $4  }
0x94: {  	s26 =	sadd.s32 $0x2840, s26;
	[sflag:s21] =	ssyncadd.s32 $0xFFFFF000  }
0x95: {  	[spmem:s2] =	stream.indirect.scatter.add.f32 [tilespmem:s19], [sflag:$0x3], $0x40, s26, s17, $0xb8;
	[tilespmem:$0x1B000] =	vst v63  }
0x96: {  	_ =	swait.ge [sflag:s14], $0x1000  }
0x97: {  	s28 =	smov.u32 s31;
	s26 =	sshra.s32 s30, $0x2;
	[sflag:s14] =	ssyncset.done $0x0  }
0x98: {  	s28 =	sadd.s32 $0x40, s26;
	[sflag:s14] =	ssyncadd.s32 $0xFFFFF000  }
0x99: {  	[tilespmem:s19], [sflag:$0x2] =	stream.indirect.gather [spmem:s3], $0x40, s28, s17, $0xb8;
	[tilespmem:$0x1B000] =	vst v63  }
0x9a: {  	_ =	swait.ge [sflag:s20], $0x1000  }
0x9b: {  	[sflag:s20] =	ssyncset.done $0x0  }
0x9c: {  	s29 =	sadd.s32 $0x2800, s26;
	[sflag:s20] =	ssyncadd.s32 $0xFFFFF000  }
0x9d: {  	[spmem:s2] =	stream.indirect.scatter.add.f32 [tilespmem:s18], [sflag:$0x3], $0x40, s29, s17, $0xb8;
	[tilespmem:$0x1B000] =	vst v63  }
0x9e: {  	_ =	swait.ge [sflag:s14], $0x1000  }
0x9f: {  	[sflag:s14] =	ssyncset.done $0x0  }
0xa0: {  	s30 =	sadd.s32 $0x80, s26;
	[sflag:s14] =	ssyncadd.s32 $0xFFFFF000  }
0xa1: {  	[tilespmem:s18], [sflag:$0x1] =	stream.indirect.gather [spmem:s3], $0x40, s30, s17, $0xb8;
	[tilespmem:$0x1B000] =	vst v63  }
0xa2: {  	_ =	swait.ge [sflag:s21], $0x1000  }
0xa3: {  	[sflag:s21] =	ssyncset.done $0x0  }
.Ltmp6:
0xa4: {  	s31 =	sadd.s32 $0x2840, s26;
	[sflag:s21] =	ssyncadd.s32 $0xFFFFF000;
	(pc) =	sbr.rel .LBB2_8-.Ltmp6, $4  }
0xa5: {  	[spmem:s2] =	stream.indirect.scatter.add.f32 [tilespmem:s19], [sflag:$0x3], $0x40, s31, s17, $0xb8;
	[tilespmem:$0x1B000] =	vst v63  }
0xa6: {  	_ =	swait.ge [sflag:s14], $0x1000  }
0xa7: {  	[sflag:s14] =	ssyncset.done $0x0  }
0xa8: {  	[sflag:s14] =	ssyncadd.s32 $0xFFFFF000  }
.LBB2_9:
0xa9: {  	_ =	sfence.sel $0x180000  }
0xaa: {  	[bflag:$0x0] =	sbarrier.arrive $0xFFFF  }
0xab: {  	p0 =	sne.s32 s1, $0x0;
	_ =	strace $0x9000004A  }
0xac: {  	s0 =	sadd.s32 @!p0 $0x100000, s0;
	[bflag:$0x2] =	sbarrier.arrive $0xFFFF  }
0xad: {  	[sflag:s0] =	ssyncadd.tile.s32 @!p0 $0x1;
	_ =	shalt  }
.Lfunc_end2:
_tile_overlayer_lowered:
.L_overlay_start_2:
0xae: {  	(tag) =	ssettag $0x2  }
0xaf: {  	s0 =	rddreg [dreg:$0x0];
	s2 =	stileid.u32  }
0xb0: {  	s1 =	rddreg [dreg:$0x1];
	p0 =	sne.s32 s2, $0x0  }
0xb1: {  	s3 =	rddreg [dreg:$0x2];
	[bflag:$0x3] =	sbarrier.arrive $0xFFFF;
	s2 =	simm.s32 @!p0 $0x1C03  }
0xb2: {  	[timem:s3], [sflag:s2] =	dma.local @!p0 [hbm:s0], s1  }
0xb3: {  	s0 =	simm.s32 @!p0 $0x3  }
0xb4: {  	_ =	swait.ge @!p0 [sflag:s0], s1  }
0xb5: {  	s1 =	ssub.s32 @!p0 $0x0, s1;
	[sflag:s0] =	ssyncset.done @!p0 $0x0  }
0xb6: {  	[sflag:s0] =	ssyncadd.s32 @!p0 s1  }
0xb7: {  	[bflag:$0x3] =	sbarrier.arrive $0xFFFF  }
0xb8: {  	_ =	shalt  }

// kernel: _run.14.cloned.1.call-start
scs
__scs_entry_jumppad:
0x0: {  	(pc) =	sbr.rel $0x88, $3  }
0x1: {  	(tag) =	ssettag $0x0;
	lr =	simm.s32 $0x1  }
0x2: {  	[smem:$0x3F98] =	sst lr;
	_ =	strace $0xD0000000  }
0x3: {  	_ = 	snop  }
0x4: {  	_ = 	snop  }
0x5: {  	_ = 	snop  }
0x6: {  	_ = 	snop  }
0x7: {  	_ = 	snop  }
__scs_overlays_trampoline_lowered:
0x8: {  	[smem:$0x3FA7] =	sst s0  }
0x9: {  	[smem:$0x3FA8] =	sst s1  }
0xa: {  	[smem:$0x3FA9] =	sst s2  }
0xb: {  	[smem:$0x3FAA] =	sst s3  }
0xc: {  	[smem:$0x3FAB] =	sst s4  }
0xd: {  	[smem:$0x3FAC] =	sst s5  }
0xe: {  	[smem:$0x3FAD] =	sst s6  }
0xf: {  	[smem:$0x3FAE] =	sst s7  }
0x10: {  	[smem:$0x3FAF] =	sst s8  }
0x11: {  	[smem:$0x3FB0] =	sst s9;
	s0 =	simm.s32 @!p0 $0x0  }
0x12: {  	s1 =	sld [smem:$0x3F96];
	s0 =	simm.s32 @p0 $0x1  }
0x13: {  	[smem:$0x3FB1] =	sst s0;
	s0 =	simm.s32 @!p1 $0x0  }
0x14: {  	s2 =	sld [smem:$0x3F95];
	s0 =	simm.s32 @p1 $0x1  }
0x15: {  	[smem:$0x3FB2] =	sst s0;
	s0 =	simm.s32 @!p2 $0x0  }
0x16: {  	s3 =	sld [smem:$0x3FDB];
	s0 =	simm.s32 @p2 $0x1  }
0x17: {  	s4 =	simm.s32 $0x1BF5;
	[smem:$0x3FB4] =	sst s0  }
0x18: {  	s0 =	sld [smem:$0x3F97];
	_ =	swait.ge [sflag:s4], $0x0  }
0x19: {  	s7 =	sld [smem:$0x3F98]  }
0x1a: {  	s8 =	sadd.s32 $0xFFFFE003, lr  }
0x1b: {  	s9 =	sadd.s32 $0xFFFFFEF7, lr;
	s5 =	simm.s32 $0xFFFFFFFF;
	p2 =	slt.u32 s8, $0xFFFFF086  }
0x1c: {  	p1 =	slt.u32 s9, $0xF7A;
	s5 =	simm.s32 @!p2 $0x0  }
0x1d: {  	s5 =	simm.s32 @p1 $0x1;
	p0 =	seq.s32 s7, s2  }
0x1e: {  	s7 =	smul.u32 @!p0 $0xF7A, s2;
	p2 =	seq.s32 @!p0 s5, $0x0  }
0x1f: {  	s9 =	smul.u32 $0xF7A, s1;
	s8 =	simm.s32 @!p0 $0x1BF5;
	p2 =	por !p2, p0  }
0x20: {  	[sflag:s8] =	ssyncset.s32 @!p0 $0xFFFFF086;
	s6 =	sadd.s32 @!p0 s3, s7;
	s7 =	simm.s32 @!p0 $0x108  }
0x21: {  	s3 =	sadd.s32 s3, s9;
	s6 =	sadd.s32 @!p0 $0x88, s6;
	s7 =	simm.s32 @p2 $0x1082  }
0x22: {  	[simem:s7], [sflag:s8] =	dma.local @!p0 [hbm:s6], $0xF7A  }
0x23: {  	s9 =	sor.u32 $0xD0000000, s2;
	s6 =	simm.s32 $0x108;
	_ =	swait.ge @!p0 [sflag:s8], $0x0  }
0x24: {  	s3 =	sadd.s32 $0x88, s3;
	s6 =	simm.s32 @!p1 $0x1082;
	[sflag:s4] =	ssyncset.s32 $0xFFFFF086  }
0x25: {  	[simem:s6], [sflag:s4] =	dma.local [hbm:s3], $0xF7A  }
0x26: {  	[smem:$0x3F98] =	sst s1;
	(tag) =	ssettag s2;
	_ =	strace s9  }
0x27: {  	s1 =	sld [smem:$0x3FA8]  }
0x28: {  	s2 =	sld [smem:$0x3FA9]  }
0x29: {  	s4 =	sld [smem:$0x3FAB]  }
0x2a: {  	p0 =	seq.s32 s5, $0x0;
	s5 =	sld [smem:$0x3FAC]  }
0x2b: {  	s6 =	sld [smem:$0x3FAD]  }
0x2c: {  	s7 =	sld [smem:$0x3FAE]  }
0x2d: {  	s3 =	simm.s32 $0x108;
	s8 =	sld [smem:$0x3FAF]  }
0x2e: {  	s3 =	simm.s32 @!p0 $0x1082;
	s9 =	sld [smem:$0x3FB0]  }
0x2f: {  	lr =	sadd.s32 s0, s3;
	s0 =	sld [smem:$0x3FA7]  }
0x30: {  	s3 =	sld [smem:$0x3FAA]  }
0x31: {  	[smem:$0x3FB3] =	sst s10  }
0x32: {  	s10 =	sld [smem:$0x3FB1];
	_ =	sdelay $0x3  }
0x33: {  	p0 =	seq.s32 s10, $0x1;
	s10 =	sld [smem:$0x3FB3];
	_ =	sdelay $0x3  }
0x34: {  	[smem:$0x3FB3] =	sst s10  }
0x35: {  	s10 =	sld [smem:$0x3FB2];
	_ =	sdelay $0x3  }
0x36: {  	p1 =	seq.s32 s10, $0x1;
	s10 =	sld [smem:$0x3FB3];
	_ =	sdelay $0x3  }
0x37: {  	[smem:$0x3FB3] =	sst s10  }
0x38: {  	s10 =	sld [smem:$0x3FB4]  }
0x39: {  	_ = 	snop;
	(pc) =	sbr.ind lr, $3  }
0x3a: {  	_ = 	snop  }
0x3b: {  	_ = 	snop  }
0x3c: {  	p2 =	seq.s32 s10, $0x1;
	s10 =	sld [smem:$0x3FB3]  }
0x3d: {  	_ =	shalt  }
0x3e: {  	_ =	shalt  }
0x3f: {  	_ =	shalt  }
0x40: {  	_ =	shalt  }
0x41: {  	_ =	shalt  }
0x42: {  	_ =	shalt  }
0x43: {  	_ =	shalt  }
0x44: {  	_ =	shalt  }
0x45: {  	_ =	shalt  }
0x46: {  	_ =	shalt  }
0x47: {  	_ =	shalt  }
0x48: {  	_ =	shalt  }
0x49: {  	_ =	shalt  }
0x4a: {  	_ =	shalt  }
0x4b: {  	_ =	shalt  }
0x4c: {  	_ =	shalt  }
0x4d: {  	_ =	shalt  }
0x4e: {  	_ =	shalt  }
0x4f: {  	_ =	shalt  }
0x50: {  	_ =	shalt  }
0x51: {  	_ =	shalt  }
0x52: {  	_ =	shalt  }
0x53: {  	_ =	shalt  }
0x54: {  	_ =	shalt  }
0x55: {  	_ =	shalt  }
0x56: {  	_ =	shalt  }
0x57: {  	_ =	shalt  }
0x58: {  	_ =	shalt  }
0x59: {  	_ =	shalt  }
0x5a: {  	_ =	shalt  }
0x5b: {  	_ =	shalt  }
0x5c: {  	_ =	shalt  }
0x5d: {  	_ =	shalt  }
0x5e: {  	_ =	shalt  }
0x5f: {  	_ =	shalt  }
0x60: {  	_ =	shalt  }
0x61: {  	_ =	shalt  }
0x62: {  	_ =	shalt  }
0x63: {  	_ =	shalt  }
0x64: {  	_ =	shalt  }
0x65: {  	_ =	shalt  }
0x66: {  	_ =	shalt  }
0x67: {  	_ =	shalt  }
0x68: {  	_ =	shalt  }
0x69: {  	_ =	shalt  }
0x6a: {  	_ =	shalt  }
0x6b: {  	_ =	shalt  }
0x6c: {  	_ =	shalt  }
0x6d: {  	_ =	shalt  }
0x6e: {  	_ =	shalt  }
0x6f: {  	_ =	shalt  }
0x70: {  	_ =	shalt  }
0x71: {  	_ =	shalt  }
0x72: {  	_ =	shalt  }
0x73: {  	_ =	shalt  }
0x74: {  	_ =	shalt  }
0x75: {  	_ =	shalt  }
0x76: {  	_ =	shalt  }
0x77: {  	_ =	shalt  }
0x78: {  	_ =	shalt  }
0x79: {  	_ =	shalt  }
0x7a: {  	_ =	shalt  }
0x7b: {  	_ =	shalt  }
0x7c: {  	_ =	shalt  }
0x7d: {  	_ =	shalt  }
0x7e: {  	_ =	shalt  }
0x7f: {  	_ =	shalt  }
0x80: {  	_ =	shalt  }
0x81: {  	_ =	shalt  }
0x82: {  	_ =	shalt  }
0x83: {  	_ =	shalt  }
0x84: {  	_ =	shalt  }
0x85: {  	_ =	shalt  }
0x86: {  	_ =	shalt  }
0x87: {  	_ =	shalt  }
.Lfunc_end0:
.L_simem_size_0:
called_computation.2_lowered:
.L_overlay_start_0:
0x88: {  	s2 =	sld [smem:$0x3FD9]  }
0x89: {  	s3 =	sld [smem:$0x3FFE];
	_ =	sdelay $0x1  }
0x8a: {  	s1 =	srdreg.scid  }
0x8b: {  	s0 =	sand.u32 $0x1, s1  }
0x8c: {  	s16 =	sshll.u32 s0, $0xA;
	s2 =	sadd.s32 s3, s2  }
0x8d: {  	s2 =	sadd.s32 s2, s16  }
0x8e: {  	[smem:$0x3FBF] =	sst s2  }
0x8f: {  	_ = 	snop  }
0x90: {  	(tm) =	ssettm $0x1  }
0x91: {  	s17 =	sld [smem:$0x3FFB];
	_ =	sdelay $0x3  }
0x92: {  	_ =	strace s17  }
0x93: {  	s2 =	sld [smem:$0x3FFC];
	_ =	sdelay $0x3  }
0x94: {  	_ =	strace s2  }
0x95: {  	s2 =	sld [smem:$0x3FFD];
	_ =	sdelay $0x3  }
0x96: {  	_ =	strace s2  }
0x97: {  	_ =	strace $0x8FFFFFFF  }
0x98: {  	s18 =	sld [smem:$0x3FDB];
	_ =	sdelay $0x1  }
0x99: {  	s19 =	simm.s32 $_scs_section_size  }
0x9a: {  	s4 =	simm.s32 $_size__tile_overlayer_lowered;
	s5 =	simm.s32 $_tile_overlayer_lowered  }
0x9b: {  	s22 =	simm.s32 $0x1BFF;
	s21 =	sshll.u32 s5, $0x1;
	s2 =	sadd.s32 s19, s18  }
0x9c: {  	s6 =	simm.s32 $0x0;
	s20 =	sshll.u32 s4, $0x1;
	s4 =	sadd.s32 s21, s2  }
0x9d: {  	[timem:s6], [sflag:s22] =	dma.local [hbm:s4], s20  }
0x9e: {  	_ =	swait.ge [sflag:s22], s20  }
0x9f: {  	s3 =	ssub.s32 $0x0, s20;
	[sflag:s22] =	ssyncset.done $0x0  }
0xa0: {  	[sflag:s22] =	ssyncadd.s32 s3;
	_ =	sdelay $0x1  }
0xa1: {  	s23 =	simm.s32 $0x1B8B  }
0xa2: {  	_ =	swait.ge [sflag:s23], $0x1  }
0xa3: {  	[sflag:s23] =	ssyncset.done $0x0  }
0xa4: {  	s25 =	simm.s32 $0x1B8E;
	s24 =	sld [smem:$0x3FFE];
	[sflag:s23] =	ssyncadd.s32 $0xFFFFFFFF  }
0xa5: {  	s26 =	simm.s32 $execute0_lowered;
	[smem:$0x3FD2] =	sst s25  }
0xa6: {  	s4 =	sshll.u32 s26, $0x1;
	_ =	strace $0x8000004C;
	[dreg:$0x1] =	wrdreg $0xFFFFFFFF  }
0xa7: {  	s28 =	simm.s32 $_size_execute0_lowered;
	s2 =	sadd.s32 s2, s4;
	[dreg:$0x0] =	wrdreg $0x0  }
0xa8: {  	s4 =	sshll.u32 s28, $0x1;
	[dreg:$0x2] =	wrdreg s2  }
0xa9: {  	[dreg:$0x3] =	wrdreg s4  }
0xaa: {  	[dreg:$0x4] =	wrdreg $0xC0  }
0xab: {  	_ =	task [dreg:s6], $0x5FFFF  }
0xac: {  	[dreg:$0x1] =	wrdreg $0xFFFFFFFF  }
0xad: {  	[dreg:$0x0] =	wrdreg $0x60  }
0xae: {  	[dreg:$0x2] =	wrdreg s24  }
0xaf: {  	[dreg:$0x3] =	wrdreg $0x70000  }
0xb0: {  	[dreg:$0x4] =	wrdreg $0x110000  }
0xb1: {  	[dreg:$0x5] =	wrdreg $0x9  }
0xb2: {  	_ =	task.clear_ibuf [dreg:s6], $0x6FFFF;
	_ =	strace $0x9000004C  }
0xb3: {  	s29 =	simm.s32 $0x9;
	_ =	strace $0x8000004E  }
0xb4: {  	_ =	swait.ge [sflag:s29], $0x1  }
0xb5: {  	[sflag:s29] =	ssyncadd.s32 $0xFFFFFFFF  }
0xb6: {  	_ =	strace $0x9000004E  }
0xb7: {  	_ =	sfence  }
0xb8: {  	s30 =	sld [smem:$0x0];
	_ =	sdelay $0x2  }
0xb9: {  	s31 =	sshll.u32 s1, $0xD;
	s1 =	sshrl.u32 s1, $0x2  }
0xba: {  	s3 =	sand.u32 $0x4000, s31;
	s1 =	sadd.s32 s1, s30  }
0xbb: {  	s0 =	sor.u32 s3, s0;
	s1 =	sshll.u32 s1, $0x11  }
0xbc: {  	s0 =	sor.u32 s1, s0  }
0xbd: {  	s0 =	sadd.s32 $0x8F2B, s0  }
0xbe: {  	[sflag:s0] =	ssyncadd.remote.s32 $0x1  }
0xbf: {  	_ =	sfence.sel $0xFFFF  }
0xc0: {  	[dreg:$0x0] =	wrdreg $0xFFFFFFFF;
	(pc) =	sbr.abs _section_cstart, $3  }
0xc1: {  	[dreg:$0x1] =	wrdreg $0xFFFFFFFF  }
0xc2: {  	_ =	task.clear_ibuf [dreg:s6], $0x2FFFF;
	_ =	strace $0x9FFFFFFF  }
0xc3: {  	(tm) =	ssettm $0x7FFFFFFF  }
tec
execute0_lowered:
.L_overlay_start_1:
0x0: {  	(tag) =	ssettag $0x1  }
0x1: {  	s6 =	rddreg [dreg:$0x0]  }
0x2: {  	s2 =	rddreg [dreg:$0x1]  }
0x3: {  	s3 =	rddreg [dreg:$0x2]  }
0x4: {  	s0 =	rddreg [dreg:$0x3];
	s4 =	simm.s32 $0x0  }
0x5: {  	s1 =	stileid.u32;
	s5 =	srdreg.scid;
	s17 =	simm.s32 $0x40  }
0x6: {  	s18 =	simm.s32 $0x5000;
	s19 =	simm.s32 $0x6000;
	s20 =	simm.s32 $0x1  }
0x7: {  	s21 =	simm.s32 $0x2;
	s22 =	simm.s32 $0x27C0;
	s7 =	smul.u32 $0xA000, s1  }
0x8: {  	s23 =	simm.s32 $0x4F80;
	[smem:$0x7FF] =	sst s4;
	s8 =	smul.u32 $0x500, s1  }
0x9: {  	s9 =	sand.u32 $0x1, s5;
	s5 =	sadd.s32 $0x2200, s6;
	s31 =	sshll.u32 s1, $0x6  }
0xa: {  	_ =	strace $0x8000004D;
	s11 =	smul.u32 $0x14000, s9;
	s12 =	ssub.s32 $0x2, s9  }
0xb: {  	p0 =	seq.s32 s9, $0x1;
	s24 =	sshrl.u32 s7, $0x3;
	s13 =	sadd.s32 s8, s6  }
0xc: {  	s30 =	sshrl.u32 s12, $0x1;
	s15 =	sadd.s32 s7, s2;
	s16 =	sadd.s32 s7, s3  }
0xd: {  	s10 =	sadd.s32 s24, s6;
	s14 =	sadd.s32 s11, s6;
	s12 =	ssub.s32 s12, s30  }
.Ltmp0:
0xe: {  	s6 =	sor.u32 $0x1C03, s31;
	s8 =	sadd.s32 $0x1C200, s13;
	(pc) =	sbr.rel .LBB2_1-.Ltmp0, $4  }
0xf: {  	s9 =	sadd.s32 $0x17200, s13;
	s11 =	sadd.s32 $0x12200, s13;
	s7 =	sadd.s32 $0x21200, s10  }
0x10: {  	s10 =	sadd.s32 $0xD200, s13;
	s25 =	sadd.s32 $0x35200, s14;
	s12 =	smax.u32 s12, $0x1  }
0x11: {  	s13 =	sshrl.u32 s15, $0x3;
	s14 =	simm.s32 $0x3;
	s15 =	sshrl.u32 s16, $0x3  }
0x12: {  	s16 =	simm.s32 $0x2800;
	s24 =	sadd.s32 s24, s25;
	s25 =	simm.s32 $0x4FC0  }
.LBB2_7:
0x13: {  	s28 =	sadd.s32 $0x40, s26;
	[sflag:s14] =	ssyncadd.s32 $0xFFFFF000  }
0x14: {  	[tilespmem:s19], [sflag:$0x2] =	stream.indirect.gather [spmem:s3], $0x40, s28, s17, $0xb8;
	[tilespmem:$0x1B000] =	vst v63  }
0x15: {  	_ =	swait.ge [sflag:s20], $0x1000  }
0x16: {  	[sflag:s20] =	ssyncset.done $0x0  }
0x17: {  	s29 =	sadd.s32 $0x2800, s26;
	[sflag:s20] =	ssyncadd.s32 $0xFFFFF000  }
0x18: {  	[spmem:s2] =	stream.indirect.scatter.add.f32 [tilespmem:s18], [sflag:$0x3], $0x40, s29, s17, $0xb8;
	[tilespmem:$0x1B000] =	vst v63  }
0x19: {  	_ =	swait.ge [sflag:s14], $0x1000  }
0x1a: {  	[sflag:s14] =	ssyncset.done $0x0  }
0x1b: {  	s30 =	sadd.s32 $0x80, s26;
	[sflag:s14] =	ssyncadd.s32 $0xFFFFF000  }
0x1c: {  	[tilespmem:s18], [sflag:$0x1] =	stream.indirect.gather [spmem:s3], $0x40, s30, s17, $0xb8;
	[tilespmem:$0x1B000] =	vst v63  }
0x1d: {  	_ =	swait.ge [sflag:s21], $0x1000  }
0x1e: {  	[sflag:s21] =	ssyncset.done $0x0  }
0x1f: {  	s31 =	sadd.s32 $0x2840, s26;
	[sflag:s21] =	ssyncadd.s32 $0xFFFFF000  }
0x20: {  	[spmem:s2] =	stream.indirect.scatter.add.f32 [tilespmem:s19], [sflag:$0x3], $0x40, s31, s17, $0xb8;
	[tilespmem:$0x1B000] =	vst v63  }
0x21: {  	_ =	swait.ge [sflag:s14], $0x1000  }
0x22: {  	[sflag:s14] =	ssyncset.done $0x0  }
0x23: {  	[sflag:s14] =	ssyncadd.s32 $0xFFFFF000  }
.LBB2_8:
0x24: {  	[tilespmem:s19], [sflag:$0x2] =	stream.indirect.gather [spmem:s3], $0x40, s22, s17, $0xb8;
	[tilespmem:$0x1B000] =	vst v63  }
0x25: {  	_ =	swait.ge [sflag:s20], $0x1000  }
0x26: {  	[sflag:s20] =	ssyncset.done $0x0  }
0x27: {  	[sflag:s20] =	ssyncadd.s32 $0xFFFFF000  }
0x28: {  	[spmem:s2] =	stream.indirect.scatter.add.f32 [tilespmem:s18], [sflag:$0x3], $0x40, s23, s17, $0xb8;
	[tilespmem:$0x1B000] =	vst v63  }
0x29: {  	_ =	swait.ge [sflag:s14], $0x1000  }
0x2a: {  	[sflag:s14] =	ssyncset.done $0x0  }
0x2b: {  	[sflag:s14] =	ssyncadd.s32 $0xFFFFF000  }
0x2c: {  	_ =	swait.ge [sflag:s21], $0x1000  }
0x2d: {  	[sflag:s21] =	ssyncset.done $0x0  }
0x2e: {  	[sflag:s21] =	ssyncadd.s32 $0xFFFFF000  }
0x2f: {  	[spmem:s2] =	stream.indirect.scatter.add.f32 [tilespmem:s19], [sflag:$0x3], $0x40, s25, s17, $0xb8;
	[tilespmem:$0x1B000] =	vst v63  }
0x30: {  	_ =	swait.ge [sflag:s14], $0x1000  }
0x31: {  	s4 =	sadd.s32 $0x1, s4;
	[sflag:s14] =	ssyncset.done $0x0  }
0x32: {  	p1 =	sne.s32 s4, s12;
	[sflag:s14] =	ssyncadd.s32 $0xFFFFF000  }
.Ltmp1:
0x33: {  	[bflag:$0x0] =	sbarrier.arrive $0xFFFF;
	(pc) =	sbr.rel @!p1 .LBB2_9-.Ltmp1, $4  }
0x34: {  	[hbm:s24], [sflag:s6] =	dma.local [spmem:s13], $0x1400  }
0x35: {  	_ =	swait.ge [sflag:s14], $0x1400  }
0x36: {  	[sflag:s14] =	ssyncset.done $0x0  }
0x37: {  	[sflag:s14] =	ssyncadd.s32 $0xFFFFEC00  }
.LBB2_1:
0x38: {  	[spmem:s13], [sflag:s6] =	dma.local [hbm:s5], $0x1400  }
0x39: {  	_ =	swait.ge [sflag:s14], $0x1400  }
0x3a: {  	[sflag:s14] =	ssyncset.done $0x0  }
0x3b: {  	[sflag:s14] =	ssyncadd.s32 $0xFFFFEC00  }
0x3c: {  	[spmem:s15], [sflag:s6] =	dma.local [hbm:s7], $0x1400  }
.Ltmp2:
0x3d: {  	_ =	swait.ge [sflag:s14], $0x1400;
	(pc) =	sbr.rel @!p0 .LBB2_2-.Ltmp2, $4  }
0x3e: {  	[sflag:s14] =	ssyncset.done $0x0  }
0x3f: {  	[sflag:s14] =	ssyncadd.s32 $0xFFFFEC00  }
0x40: {  	[bflag:$0x0] =	sbarrier.arrive $0xFFFF  }
0x41: {  	s26 =	simm.s32 $0x0  }
0x42: {  	[tilespmem:s26], [sflag:$0x3] =	stream.linear.gather [hbm4b:s10+s26], $0x2800, $0x38;
	[tilespmem:$0x1B000] =	vst v63  }
0x43: {  	_ =	swait.ge [sflag:s14], $0x2800  }
0x44: {  	[sflag:s14] =	ssyncset.done $0x0  }
0x45: {  	[sflag:s14] =	ssyncadd.s32 $0xFFFFD800  }
0x46: {  	[tilespmem:s16], [sflag:$0x3] =	stream.linear.gather [hbm4b:s11+s26], $0x2800, $0x38;
	[tilespmem:$0x1B000] =	vst v63  }
0x47: {  	_ =	swait.ge [sflag:s14], $0x2800  }
0x48: {  	[sflag:s14] =	ssyncset.done $0x0  }
0x49: {  	[sflag:s14] =	ssyncadd.s32 $0xFFFFD800  }
0x4a: {  	[tilespmem:s18], [sflag:$0x1] =	stream.indirect.gather [spmem:s3], $0x40, s26, s17, $0xb8;
	[tilespmem:$0x1B000] =	vst v63  }
0x4b: {  	s31 =	simm.s32 $0x40  }
0x4c: {  	[tilespmem:s19], [sflag:$0x2] =	stream.indirect.gather [spmem:s3], $0x40, s31, s17, $0xb8;
	[tilespmem:$0x1B000] =	vst v63  }
0x4d: {  	_ =	swait.ge [sflag:s20], $0x1000  }
0x4e: {  	[sflag:s20] =	ssyncset.done $0x0  }
0x4f: {  	s29 =	simm.s32 $0x2800;
	[sflag:s20] =	ssyncadd.s32 $0xFFFFF000  }
0x50: {  	[spmem:s2] =	stream.indirect.scatter.add.f32 [tilespmem:s18], [sflag:$0x3], $0x40, s29, s17, $0xb8;
	[tilespmem:$0x1B000] =	vst v63  }
0x51: {  	_ =	swait.ge [sflag:s14], $0x1000  }
0x52: {  	[sflag:s14] =	ssyncset.done $0x0  }
0x53: {  	s30 =	simm.s32 $0x80;
	[sflag:s14] =	ssyncadd.s32 $0xFFFFF000  }
0x54: {  	[tilespmem:s18], [sflag:$0x1] =	stream.indirect.gather [spmem:s3], $0x40, s30, s17, $0xb8;
	[tilespmem:$0x1B000] =	vst v63  }
0x55: {  	_ =	swait.ge [sflag:s21], $0x1000  }
0x56: {  	[sflag:s21] =	ssyncset.done $0x0  }
0x57: {  	s31 =	simm.s32 $0x2840;
	[sflag:s21] =	ssyncadd.s32 $0xFFFFF000  }
0x58: {  	[spmem:s2] =	stream.indirect.scatter.add.f32 [tilespmem:s19], [sflag:$0x3], $0x40, s31, s17, $0xb8;
	[tilespmem:$0x1B000] =	vst v63  }
0x59: {  	_ =	swait.ge [sflag:s14], $0x1000  }
0x5a: {  	s28 =	simm.s32 $0x400;
	s26 =	simm.s32 $0x80;
	[sflag:s14] =	ssyncset.done $0x0  }
.LBB2_6:
0x5b: {  	s29 =	sadd.s32 $0x40, s26  }
0x5c: {  	[sflag:s14] =	ssyncadd.s32 $0xFFFFF000;
	s30 =	smov.u32 s28;
	s31 =	sadd.s32 $0x200, s28  }
0x5d: {  	[tilespmem:s19], [sflag:$0x2] =	stream.indirect.gather [spmem:s3], $0x40, s29, s17, $0xb8;
	[tilespmem:$0x1B000] =	vst v63  }
0x5e: {  	p1 =	sne.s32 s28, $0x9C00;
	_ =	swait.ge [sflag:s20], $0x1000  }
0x5f: {  	[sflag:s20] =	ssyncset.done $0x0  }
0x60: {  	s28 =	sadd.s32 $0x2800, s26;
	[sflag:s20] =	ssyncadd.s32 $0xFFFFF000  }
0x61: {  	[spmem:s2] =	stream.indirect.scatter.add.f32 [tilespmem:s18], [sflag:$0x3], $0x40, s28, s17, $0xb8;
	[tilespmem:$0x1B000] =	vst v63  }
0x62: {  	_ =	swait.ge [sflag:s14], $0x1000  }
0x63: {  	[sflag:s14] =	ssyncset.done $0x0  }
0x64: {  	s28 =	sadd.s32 $0x80, s26;
	[sflag:s14] =	ssyncadd.s32 $0xFFFFF000  }
0x65: {  	[tilespmem:s18], [sflag:$0x1] =	stream.indirect.gather [spmem:s3], $0x40, s28, s17, $0xb8;
	[tilespmem:$0x1B000] =	vst v63  }
0x66: {  	_ =	swait.ge [sflag:s21], $0x1000  }
.Ltmp3:
0x67: {  	[sflag:s21] =	ssyncset.done $0x0;
	(pc) =	sbr.rel @p1 .LBB2_6-.Ltmp3, $4  }
0x68: {  	s26 =	sadd.s32 $0x2840, s26;
	[sflag:s21] =	ssyncadd.s32 $0xFFFFF000  }
0x69: {  	[spmem:s2] =	stream.indirect.scatter.add.f32 [tilespmem:s19], [sflag:$0x3], $0x40, s26, s17, $0xb8;
	[tilespmem:$0x1B000] =	vst v63  }
0x6a: {  	_ =	swait.ge [sflag:s14], $0x1000  }
0x6b: {  	s28 =	smov.u32 s31;
	s26 =	sshra.s32 s30, $0x2;
	[sflag:s14] =	ssyncset.done $0x0  }
.Ltmp4:
0x6c: {  	_ = 	snop;
	(pc) =	sbr.rel .LBB2_7-.Ltmp4, $1  }
0x6d: {  	_ =	sdelay $0x3  }
.LBB2_2:
0x6e: {  	[tilespmem:s26], [sflag:$0x3] =	stream.linear.gather [hbm4b:s8+s26], $0x2800, $0x38;
	[tilespmem:$0x1B000] =	vst v63  }
0x6f: {  	_ =	swait.ge [sflag:s14], $0x2800  }
0x70: {  	[sflag:s14] =	ssyncset.done $0x0  }
0x71: {  	[sflag:s14] =	ssyncadd.s32 $0xFFFFD800  }
0x72: {  	[tilespmem:s16], [sflag:$0x3] =	stream.linear.gather [hbm4b:s9+s26], $0x2800, $0x38;
	[tilespmem:$0x1B000] =	vst v63  }
0x73: {  	_ =	swait.ge [sflag:s14], $0x2800  }
0x74: {  	[sflag:s14] =	ssyncset.done $0x0  }
0x75: {  	[sflag:s14] =	ssyncadd.s32 $0xFFFFD800  }
0x76: {  	[tilespmem:s18], [sflag:$0x1] =	stream.indirect.gather [spmem:s3], $0x40, s26, s17, $0xb8;
	[tilespmem:$0x1B000] =	vst v63  }
0x77: {  	s31 =	simm.s32 $0x40  }
0x78: {  	[tilespmem:s19], [sflag:$0x2] =	stream.indirect.gather [spmem:s3], $0x40, s31, s17, $0xb8;
	[tilespmem:$0x1B000] =	vst v63  }
0x79: {  	_ =	swait.ge [sflag:s20], $0x1000  }
0x7a: {  	[sflag:s20] =	ssyncset.done $0x0  }
0x7b: {  	s29 =	simm.s32 $0x2800;
	[sflag:s20] =	ssyncadd.s32 $0xFFFFF000  }
0x7c: {  	[spmem:s2] =	stream.indirect.scatter.add.f32 [tilespmem:s18], [sflag:$0x3], $0x40, s29, s17, $0xb8;
	[tilespmem:$0x1B000] =	vst v63  }
0x7d: {  	_ =	swait.ge [sflag:s14], $0x1000  }
0x7e: {  	[sflag:s14] =	ssyncset.done $0x0  }
0x7f: {  	s30 =	simm.s32 $0x80;
	[sflag:s14] =	ssyncadd.s32 $0xFFFFF000  }
0x80: {  	[tilespmem:s18], [sflag:$0x1] =	stream.indirect.gather [spmem:s3], $0x40, s30, s17, $0xb8;
	[tilespmem:$0x1B000] =	vst v63  }
0x81: {  	_ =	swait.ge [sflag:s21], $0x1000  }
0x82: {  	[sflag:s21] =	ssyncset.done $0x0  }
0x83: {  	s31 =	simm.s32 $0x2840;
	[sflag:s21] =	ssyncadd.s32 $0xFFFFF000  }
0x84: {  	[spmem:s2] =	stream.indirect.scatter.add.f32 [tilespmem:s19], [sflag:$0x3], $0x40, s31, s17, $0xb8;
	[tilespmem:$0x1B000] =	vst v63  }
0x85: {  	_ =	swait.ge [sflag:s14], $0x1000  }
0x86: {  	s28 =	simm.s32 $0x400;
	s26 =	simm.s32 $0x80;
	[sflag:s14] =	ssyncset.done $0x0  }
.LBB2_3:
0x87: {  	s29 =	sadd.s32 $0x40, s26  }
0x88: {  	[sflag:s14] =	ssyncadd.s32 $0xFFFFF000;
	s30 =	smov.u32 s28;
	s31 =	sadd.s32 $0x200, s28  }
0x89: {  	[tilespmem:s19], [sflag:$0x2] =	stream.indirect.gather [spmem:s3], $0x40, s29, s17, $0xb8;
	[tilespmem:$0x1B000] =	vst v63  }
0x8a: {  	p1 =	seq.s32 s28, $0x9C00;
	_ =	swait.ge [sflag:s20], $0x1000  }
0x8b: {  	[sflag:s20] =	ssyncset.done $0x0  }
0x8c: {  	s28 =	sadd.s32 $0x2800, s26;
	[sflag:s20] =	ssyncadd.s32 $0xFFFFF000  }
0x8d: {  	[spmem:s2] =	stream.indirect.scatter.add.f32 [tilespmem:s18], [sflag:$0x3], $0x40, s28, s17, $0xb8;
	[tilespmem:$0x1B000] =	vst v63  }
0x8e: {  	_ =	swait.ge [sflag:s14], $0x1000  }
0x8f: {  	[sflag:s14] =	ssyncset.done $0x0  }
0x90: {  	s28 =	sadd.s32 $0x80, s26;
	[sflag:s14] =	ssyncadd.s32 $0xFFFFF000  }
0x91: {  	[tilespmem:s18], [sflag:$0x1] =	stream.indirect.gather [spmem:s3], $0x40, s28, s17, $0xb8;
	[tilespmem:$0x1B000] =	vst v63  }
0x92: {  	_ =	swait.ge [sflag:s21], $0x1000  }
.Ltmp5:
0x93: {  	[sflag:s21] =	ssyncset.done $0x0;
	(pc) =	sbr.rel @!p1 .LBB2_3-.Ltmp5, $4  }
0x94: {  	s26 =	sadd.s32 $0x2840, s26;
	[sflag:s21] =	ssyncadd.s32 $0xFFFFF000  }
0x95: {  	[spmem:s2] =	stream.indirect.scatter.add.f32 [tilespmem:s19], [sflag:$0x3], $0x40, s26, s17, $0xb8;
	[tilespmem:$0x1B000] =	vst v63  }
0x96: {  	_ =	swait.ge [sflag:s14], $0x1000  }
0x97: {  	s28 =	smov.u32 s31;
	s26 =	sshra.s32 s30, $0x2;
	[sflag:s14] =	ssyncset.done $0x0  }
0x98: {  	s28 =	sadd.s32 $0x40, s26;
	[sflag:s14] =	ssyncadd.s32 $0xFFFFF000  }
0x99: {  	[tilespmem:s19], [sflag:$0x2] =	stream.indirect.gather [spmem:s3], $0x40, s28, s17, $0xb8;
	[tilespmem:$0x1B000] =	vst v63  }
0x9a: {  	_ =	swait.ge [sflag:s20], $0x1000  }
0x9b: {  	[sflag:s20] =	ssyncset.done $0x0  }
0x9c: {  	s29 =	sadd.s32 $0x2800, s26;
	[sflag:s20] =	ssyncadd.s32 $0xFFFFF000  }
0x9d: {  	[spmem:s2] =	stream.indirect.scatter.add.f32 [tilespmem:s18], [sflag:$0x3], $0x40, s29, s17, $0xb8;
	[tilespmem:$0x1B000] =	vst v63  }
0x9e: {  	_ =	swait.ge [sflag:s14], $0x1000  }
0x9f: {  	[sflag:s14] =	ssyncset.done $0x0  }
0xa0: {  	s30 =	sadd.s32 $0x80, s26;
	[sflag:s14] =	ssyncadd.s32 $0xFFFFF000  }
0xa1: {  	[tilespmem:s18], [sflag:$0x1] =	stream.indirect.gather [spmem:s3], $0x40, s30, s17, $0xb8;
	[tilespmem:$0x1B000] =	vst v63  }
0xa2: {  	_ =	swait.ge [sflag:s21], $0x1000  }
0xa3: {  	[sflag:s21] =	ssyncset.done $0x0  }
.Ltmp6:
0xa4: {  	s31 =	sadd.s32 $0x2840, s26;
	[sflag:s21] =	ssyncadd.s32 $0xFFFFF000;
	(pc) =	sbr.rel .LBB2_8-.Ltmp6, $4  }
0xa5: {  	[spmem:s2] =	stream.indirect.scatter.add.f32 [tilespmem:s19], [sflag:$0x3], $0x40, s31, s17, $0xb8;
	[tilespmem:$0x1B000] =	vst v63  }
0xa6: {  	_ =	swait.ge [sflag:s14], $0x1000  }
0xa7: {  	[sflag:s14] =	ssyncset.done $0x0  }
0xa8: {  	[sflag:s14] =	ssyncadd.s32 $0xFFFFF000  }
.LBB2_9:
0xa9: {  	_ =	sfence.sel $0x180000  }
0xaa: {  	[bflag:$0x0] =	sbarrier.arrive $0xFFFF  }
0xab: {  	p0 =	sne.s32 s1, $0x0;
	_ =	strace $0x9000004D  }
0xac: {  	s0 =	sadd.s32 @!p0 $0x100000, s0;
	[bflag:$0x2] =	sbarrier.arrive $0xFFFF  }
0xad: {  	[sflag:s0] =	ssyncadd.tile.s32 @!p0 $0x1;
	_ =	shalt  }
.Lfunc_end2:
_tile_overlayer_lowered:
.L_overlay_start_2:
0xae: {  	(tag) =	ssettag $0x2  }
0xaf: {  	s0 =	rddreg [dreg:$0x0];
	s2 =	stileid.u32  }
0xb0: {  	s1 =	rddreg [dreg:$0x1];
	p0 =	sne.s32 s2, $0x0  }
0xb1: {  	s3 =	rddreg [dreg:$0x2];
	[bflag:$0x3] =	sbarrier.arrive $0xFFFF;
	s2 =	simm.s32 @!p0 $0x1C03  }
0xb2: {  	[timem:s3], [sflag:s2] =	dma.local @!p0 [hbm:s0], s1  }
0xb3: {  	s0 =	simm.s32 @!p0 $0x3  }
0xb4: {  	_ =	swait.ge @!p0 [sflag:s0], s1  }
0xb5: {  	s1 =	ssub.s32 @!p0 $0x0, s1;
	[sflag:s0] =	ssyncset.done @!p0 $0x0  }
0xb6: {  	[sflag:s0] =	ssyncadd.s32 @!p0 s1  }
0xb7: {  	[bflag:$0x3] =	sbarrier.arrive $0xFFFF  }
0xb8: {  	_ =	shalt  }

// kernel: _run.8.cloned.1.call-start
scs
__scs_entry_jumppad:
0x0: {  	(pc) =	sbr.rel $0x88, $3  }
0x1: {  	(tag) =	ssettag $0x0;
	lr =	simm.s32 $0x1  }
0x2: {  	[smem:$0x3F98] =	sst lr;
	_ =	strace $0xD0000000  }
0x3: {  	_ = 	snop  }
0x4: {  	_ = 	snop  }
0x5: {  	_ = 	snop  }
0x6: {  	_ = 	snop  }
0x7: {  	_ = 	snop  }
__scs_overlays_trampoline_lowered:
0x8: {  	[smem:$0x3FA7] =	sst s0  }
0x9: {  	[smem:$0x3FA8] =	sst s1  }
0xa: {  	[smem:$0x3FA9] =	sst s2  }
0xb: {  	[smem:$0x3FAA] =	sst s3  }
0xc: {  	[smem:$0x3FAB] =	sst s4  }
0xd: {  	[smem:$0x3FAC] =	sst s5  }
0xe: {  	[smem:$0x3FAD] =	sst s6  }
0xf: {  	[smem:$0x3FAE] =	sst s7  }
0x10: {  	[smem:$0x3FAF] =	sst s8  }
0x11: {  	[smem:$0x3FB0] =	sst s9;
	s0 =	simm.s32 @!p0 $0x0  }
0x12: {  	s1 =	sld [smem:$0x3F96];
	s0 =	simm.s32 @p0 $0x1  }
0x13: {  	[smem:$0x3FB1] =	sst s0;
	s0 =	simm.s32 @!p1 $0x0  }
0x14: {  	s2 =	sld [smem:$0x3F95];
	s0 =	simm.s32 @p1 $0x1  }
0x15: {  	[smem:$0x3FB2] =	sst s0;
	s0 =	simm.s32 @!p2 $0x0  }
0x16: {  	s3 =	sld [smem:$0x3FDB];
	s0 =	simm.s32 @p2 $0x1  }
0x17: {  	s4 =	simm.s32 $0x1BF5;
	[smem:$0x3FB4] =	sst s0  }
0x18: {  	s0 =	sld [smem:$0x3F97];
	_ =	swait.ge [sflag:s4], $0x0  }
0x19: {  	s7 =	sld [smem:$0x3F98]  }
0x1a: {  	s8 =	sadd.s32 $0xFFFFE003, lr  }
0x1b: {  	s9 =	sadd.s32 $0xFFFFFEF7, lr;
	s5 =	simm.s32 $0xFFFFFFFF;
	p2 =	slt.u32 s8, $0xFFFFF086  }
0x1c: {  	p1 =	slt.u32 s9, $0xF7A;
	s5 =	simm.s32 @!p2 $0x0  }
0x1d: {  	s5 =	simm.s32 @p1 $0x1;
	p0 =	seq.s32 s7, s2  }
0x1e: {  	s7 =	smul.u32 @!p0 $0xF7A, s2;
	p2 =	seq.s32 @!p0 s5, $0x0  }
0x1f: {  	s9 =	smul.u32 $0xF7A, s1;
	s8 =	simm.s32 @!p0 $0x1BF5;
	p2 =	por !p2, p0  }
0x20: {  	[sflag:s8] =	ssyncset.s32 @!p0 $0xFFFFF086;
	s6 =	sadd.s32 @!p0 s3, s7;
	s7 =	simm.s32 @!p0 $0x108  }
0x21: {  	s3 =	sadd.s32 s3, s9;
	s6 =	sadd.s32 @!p0 $0x88, s6;
	s7 =	simm.s32 @p2 $0x1082  }
0x22: {  	[simem:s7], [sflag:s8] =	dma.local @!p0 [hbm:s6], $0xF7A  }
0x23: {  	s9 =	sor.u32 $0xD0000000, s2;
	s6 =	simm.s32 $0x108;
	_ =	swait.ge @!p0 [sflag:s8], $0x0  }
0x24: {  	s3 =	sadd.s32 $0x88, s3;
	s6 =	simm.s32 @!p1 $0x1082;
	[sflag:s4] =	ssyncset.s32 $0xFFFFF086  }
0x25: {  	[simem:s6], [sflag:s4] =	dma.local [hbm:s3], $0xF7A  }
0x26: {  	[smem:$0x3F98] =	sst s1;
	(tag) =	ssettag s2;
	_ =	strace s9  }
0x27: {  	s1 =	sld [smem:$0x3FA8]  }
0x28: {  	s2 =	sld [smem:$0x3FA9]  }
0x29: {  	s4 =	sld [smem:$0x3FAB]  }
0x2a: {  	p0 =	seq.s32 s5, $0x0;
	s5 =	sld [smem:$0x3FAC]  }
0x2b: {  	s6 =	sld [smem:$0x3FAD]  }
0x2c: {  	s7 =	sld [smem:$0x3FAE]  }
0x2d: {  	s3 =	simm.s32 $0x108;
	s8 =	sld [smem:$0x3FAF]  }
0x2e: {  	s3 =	simm.s32 @!p0 $0x1082;
	s9 =	sld [smem:$0x3FB0]  }
0x2f: {  	lr =	sadd.s32 s0, s3;
	s0 =	sld [smem:$0x3FA7]  }
0x30: {  	s3 =	sld [smem:$0x3FAA]  }
0x31: {  	[smem:$0x3FB3] =	sst s10  }
0x32: {  	s10 =	sld [smem:$0x3FB1];
	_ =	sdelay $0x3  }
0x33: {  	p0 =	seq.s32 s10, $0x1;
	s10 =	sld [smem:$0x3FB3];
	_ =	sdelay $0x3  }
0x34: {  	[smem:$0x3FB3] =	sst s10  }
0x35: {  	s10 =	sld [smem:$0x3FB2];
	_ =	sdelay $0x3  }
0x36: {  	p1 =	seq.s32 s10, $0x1;
	s10 =	sld [smem:$0x3FB3];
	_ =	sdelay $0x3  }
0x37: {  	[smem:$0x3FB3] =	sst s10  }
0x38: {  	s10 =	sld [smem:$0x3FB4]  }
0x39: {  	_ = 	snop;
	(pc) =	sbr.ind lr, $3  }
0x3a: {  	_ = 	snop  }
0x3b: {  	_ = 	snop  }
0x3c: {  	p2 =	seq.s32 s10, $0x1;
	s10 =	sld [smem:$0x3FB3]  }
0x3d: {  	_ =	shalt  }
0x3e: {  	_ =	shalt  }
0x3f: {  	_ =	shalt  }
0x40: {  	_ =	shalt  }
0x41: {  	_ =	shalt  }
0x42: {  	_ =	shalt  }
0x43: {  	_ =	shalt  }
0x44: {  	_ =	shalt  }
0x45: {  	_ =	shalt  }
0x46: {  	_ =	shalt  }
0x47: {  	_ =	shalt  }
0x48: {  	_ =	shalt  }
0x49: {  	_ =	shalt  }
0x4a: {  	_ =	shalt  }
0x4b: {  	_ =	shalt  }
0x4c: {  	_ =	shalt  }
0x4d: {  	_ =	shalt  }
0x4e: {  	_ =	shalt  }
0x4f: {  	_ =	shalt  }
0x50: {  	_ =	shalt  }
0x51: {  	_ =	shalt  }
0x52: {  	_ =	shalt  }
0x53: {  	_ =	shalt  }
0x54: {  	_ =	shalt  }
0x55: {  	_ =	shalt  }
0x56: {  	_ =	shalt  }
0x57: {  	_ =	shalt  }
0x58: {  	_ =	shalt  }
0x59: {  	_ =	shalt  }
0x5a: {  	_ =	shalt  }
0x5b: {  	_ =	shalt  }
0x5c: {  	_ =	shalt  }
0x5d: {  	_ =	shalt  }
0x5e: {  	_ =	shalt  }
0x5f: {  	_ =	shalt  }
0x60: {  	_ =	shalt  }
0x61: {  	_ =	shalt  }
0x62: {  	_ =	shalt  }
0x63: {  	_ =	shalt  }
0x64: {  	_ =	shalt  }
0x65: {  	_ =	shalt  }
0x66: {  	_ =	shalt  }
0x67: {  	_ =	shalt  }
0x68: {  	_ =	shalt  }
0x69: {  	_ =	shalt  }
0x6a: {  	_ =	shalt  }
0x6b: {  	_ =	shalt  }
0x6c: {  	_ =	shalt  }
0x6d: {  	_ =	shalt  }
0x6e: {  	_ =	shalt  }
0x6f: {  	_ =	shalt  }
0x70: {  	_ =	shalt  }
0x71: {  	_ =	shalt  }
0x72: {  	_ =	shalt  }
0x73: {  	_ =	shalt  }
0x74: {  	_ =	shalt  }
0x75: {  	_ =	shalt  }
0x76: {  	_ =	shalt  }
0x77: {  	_ =	shalt  }
0x78: {  	_ =	shalt  }
0x79: {  	_ =	shalt  }
0x7a: {  	_ =	shalt  }
0x7b: {  	_ =	shalt  }
0x7c: {  	_ =	shalt  }
0x7d: {  	_ =	shalt  }
0x7e: {  	_ =	shalt  }
0x7f: {  	_ =	shalt  }
0x80: {  	_ =	shalt  }
0x81: {  	_ =	shalt  }
0x82: {  	_ =	shalt  }
0x83: {  	_ =	shalt  }
0x84: {  	_ =	shalt  }
0x85: {  	_ =	shalt  }
0x86: {  	_ =	shalt  }
0x87: {  	_ =	shalt  }
.Lfunc_end0:
.L_simem_size_0:
called_computation_lowered:
.L_overlay_start_0:
0x88: {  	s2 =	sld [smem:$0x3FD9]  }
0x89: {  	s3 =	sld [smem:$0x3FFE];
	_ =	sdelay $0x1  }
0x8a: {  	s1 =	srdreg.scid  }
0x8b: {  	s0 =	sand.u32 $0x1, s1  }
0x8c: {  	s17 =	sshll.u32 s0, $0xA;
	s2 =	sadd.s32 s3, s2  }
0x8d: {  	s2 =	sadd.s32 s2, s17  }
0x8e: {  	[smem:$0x3FBF] =	sst s2  }
0x8f: {  	_ = 	snop  }
0x90: {  	s2 =	sld [smem:$0x3FD0];
	(tm) =	ssettm $0x1  }
0x91: {  	s18 =	sld [smem:$0x3FFB];
	_ =	sdelay $0x3  }
0x92: {  	_ =	strace s18  }
0x93: {  	s3 =	sld [smem:$0x3FFC];
	_ =	sdelay $0x3  }
0x94: {  	_ =	strace s3  }
0x95: {  	s3 =	sld [smem:$0x3FFD];
	_ =	sdelay $0x3  }
0x96: {  	_ =	strace s3  }
0x97: {  	_ =	strace $0x8FFFFFFF  }
0x98: {  	s19 =	sld [smem:$0x3FDB];
	_ =	sdelay $0x1  }
0x99: {  	s4 =	simm.s32 $_scs_section_size  }
0x9a: {  	s5 =	simm.s32 $_size__tile_overlayer_lowered;
	s6 =	simm.s32 $_tile_overlayer_lowered  }
0x9b: {  	s22 =	simm.s32 $0x1BFF;
	s21 =	sshll.u32 s6, $0x1;
	s3 =	sadd.s32 s4, s19  }
0x9c: {  	s7 =	simm.s32 $0x0;
	s20 =	sshll.u32 s5, $0x1;
	s5 =	sadd.s32 s21, s3  }
0x9d: {  	[timem:s7], [sflag:s22] =	dma.local [hbm:s5], s20  }
0x9e: {  	_ =	swait.ge [sflag:s22], s20  }
0x9f: {  	s4 =	ssub.s32 $0x0, s20;
	[sflag:s22] =	ssyncset.done $0x0  }
0xa0: {  	[sflag:s22] =	ssyncadd.s32 s4;
	_ =	sdelay $0x1  }
0xa1: {  	s23 =	simm.s32 $0x1B8B  }
0xa2: {  	_ =	swait.ge [sflag:s23], $0x1  }
0xa3: {  	[sflag:s23] =	ssyncset.done $0x0  }
0xa4: {  	s25 =	simm.s32 $0x1B8E;
	s24 =	sld [smem:$0x3FFE];
	[sflag:s23] =	ssyncadd.s32 $0xFFFFFFFF  }
0xa5: {  	s26 =	simm.s32 $execute0_lowered;
	[smem:$0x3FD2] =	sst s25  }
0xa6: {  	s5 =	sshll.u32 s26, $0x1;
	_ =	strace $0x80000046;
	[dreg:$0x1] =	wrdreg $0xFFFFFFFF  }
0xa7: {  	s28 =	simm.s32 $_size_execute0_lowered;
	s3 =	sadd.s32 s3, s5;
	[dreg:$0x0] =	wrdreg $0x0  }
0xa8: {  	s5 =	sshll.u32 s28, $0x1;
	[dreg:$0x2] =	wrdreg s3  }
0xa9: {  	[dreg:$0x3] =	wrdreg s5  }
0xaa: {  	[dreg:$0x4] =	wrdreg $0xC0  }
0xab: {  	_ =	task [dreg:s7], $0x5FFFF  }
0xac: {  	[dreg:$0x1] =	wrdreg $0xFFFFFFFF  }
0xad: {  	[dreg:$0x0] =	wrdreg $0x60  }
0xae: {  	[dreg:$0x2] =	wrdreg s24  }
0xaf: {  	[dreg:$0x3] =	wrdreg s2  }
0xb0: {  	[dreg:$0x4] =	wrdreg $0x50800  }
0xb1: {  	[dreg:$0x5] =	wrdreg $0x9  }
0xb2: {  	_ =	task.clear_ibuf [dreg:s7], $0x6FFFF;
	_ =	strace $0x90000046  }
0xb3: {  	s29 =	simm.s32 $0x9;
	_ =	strace $0x80000048  }
0xb4: {  	_ =	swait.ge [sflag:s29], $0x1  }
0xb5: {  	[sflag:s29] =	ssyncadd.s32 $0xFFFFFFFF  }
0xb6: {  	_ =	strace $0x90000048  }
0xb7: {  	_ =	sfence  }
0xb8: {  	s30 =	sld [smem:$0x0];
	_ =	sdelay $0x2  }
0xb9: {  	s31 =	sshll.u32 s1, $0xD;
	s1 =	sshrl.u32 s1, $0x2  }
0xba: {  	s3 =	sand.u32 $0x4000, s31;
	s1 =	sadd.s32 s1, s30  }
0xbb: {  	s0 =	sor.u32 s3, s0;
	s1 =	sshll.u32 s1, $0x11  }
0xbc: {  	s0 =	sor.u32 s1, s0  }
0xbd: {  	s0 =	sadd.s32 $0x8F2B, s0  }
0xbe: {  	[sflag:s0] =	ssyncadd.remote.s32 $0x1  }
0xbf: {  	_ =	sfence.sel $0xFFFF  }
0xc0: {  	[dreg:$0x0] =	wrdreg $0xFFFFFFFF;
	(pc) =	sbr.abs _section_cstart, $3  }
0xc1: {  	[dreg:$0x1] =	wrdreg $0xFFFFFFFF  }
0xc2: {  	_ =	task.clear_ibuf [dreg:s7], $0x2FFFF;
	_ =	strace $0x9FFFFFFF  }
0xc3: {  	(tm) =	ssettm $0x7FFFFFFF  }
tec
execute0_lowered:
.L_overlay_start_1:
0x0: {  	(tag) =	ssettag $0x1  }
0x1: {  	s0 =	srdreg.scid;
	s6 =	rddreg [dreg:$0x0]  }
0x2: {  	s13 =	stileid.u32;
	s1 =	rddreg [dreg:$0x1]  }
0x3: {  	s2 =	rddreg [dreg:$0x2];
	s3 =	simm.s32 $0x0;
	s11 =	simm.s32 $0x400  }
0x4: {  	s12 =	simm.s32 $0x5000;
	s5 =	sand.u32 $0x1, s0;
	s14 =	sshll.u32 s13, $0x7  }
0x5: {  	[smem:$0x7FF] =	sst s3;
	s9 =	sshll.u32 s13, $0xA;
	s0 =	sshll.u32 s5, $0x4  }
0x6: {  	p0 =	sne.s32 s13, $0x0;
	p1 =	sgt.u32 s13, $0x9;
	s0 =	sor.u32 s13, s0  }
0x7: {  	s30 =	smul.u32 $0x500, s5;
	s5 =	ssub.s32 $0x2, s5;
	s0 =	sshrl.u32 s0, $0x3  }
0x8: {  	s7 =	sand.u32 $0x380, s14;
	s31 =	sshrl.u32 s5, $0x1;
	s4 =	smul.u32 $0x14000, s0  }
0x9: {  	s13 =	simm.s32 $0x50;
	s10 =	ssub.s32 s5, s31;
	s0 =	rddreg [dreg:$0x3]  }
0xa: {  	_ =	strace $0x80000047;
	s4 =	sor.u32 s7, s4;
	s7 =	sadd.s32 s30, s6  }
0xb: {  	s4 =	sshrl.u32 s4, $0x3;
	s15 =	sadd.s32 $0xC800, s7;
	s7 =	smax.u32 s10, $0x1  }
0xc: {  	s10 =	simm.s32 $0x80;
	s8 =	sadd.s32 s4, s6;
	s4 =	sadd.s32 $0xC200, s6  }
0xd: {  	s6 =	sadd.s32 s9, s2;
	s9 =	simm.s32 $0x1;
	s14 =	sadd.s32 @!p1 s14, s15  }
0xe: {  	v0 =	vimm.f32 $1.000000000e+00;
	s15 =	simm.s32 $0x0;
	s5 =	sadd.s32 $0x2200, s8;
	s8 =	simm.s32 $0x2800  }
.LBB2_1:
0xf: {  	[tilespmem:s8], [sflag:$0x1] =	stream.linear.gather [hbm4b:s4+s3], $0x2800, $0x38;
	[tilespmem:$0x5300] =	vst v63  }
0x10: {  	_ =	swait.ge [sflag:s9], $0x2800  }
0x11: {  	[sflag:s9] =	ssyncset.done $0x0  }
0x12: {  	s16 =	simm.s32 @!p0 $0x2800;
	[sflag:s9] =	ssyncadd.s32 $0xFFFFD800  }
0x13: {  	[spmem:s2] =	stream.linear.scatter @!p0 [tilespmem:s16], [sflag:$0x1], $0x2800, $0x38;
	[tilespmem:$0x5300] =	vst v63  }
0x14: {  	s16 =	simm.s32 @!p0 $0x1  }
0x15: {  	_ =	swait.ge @!p0 [sflag:s16], $0x2800  }
0x16: {  	[sflag:s16] =	ssyncset.done @!p0 $0x0  }
0x17: {  	[sflag:s16] =	ssyncadd.s32 @!p0 $0xFFFFD800  }
0x18: {  	[tilespmem:s3], [sflag:$0x1] =	stream.strided.gather [hbm4b:s5+s10], $0x2800, s11, s10, $0x38;
	[tilespmem:$0x5300] =	vst v63  }
0x19: {  	_ =	swait.ge [sflag:s9], $0x2800  }
0x1a: {  	[sflag:s9] =	ssyncset.done $0x0  }
0x1b: {  	[sflag:s9] =	ssyncadd.s32 $0xFFFFD800  }
0x1c: {  	[tilespmem:s12], [sflag:$0x1] =	stream.linear.gather [hbm4b:s1+s3], $0x80, $0x38;
	[tilespmem:$0x5300] =	vst v63  }
0x1d: {  	_ =	swait.ge [sflag:s9], $0x80  }
0x1e: {  	[sflag:s9] =	ssyncset.done $0x0  }
0x1f: {  	[sflag:s9] =	ssyncadd.s32 $0xFFFFFF80  }
0x20: {  	s17 =	simm.s32 $0x0;
	s16 =	simm.s32 $0x40;
	[bflag:$0x0] =	sbarrier.arrive $0xFFFF  }
.LBB2_2:
0x21: {  	p2 =	sne.s32 s16, $0x9FC0;
	v1 =	vld [tilespmem:s17+$0x0];
	_ =	sdelay $0x3  }
.Ltmp0:
0x22: {  	(pc) =	sbr.rel @p2 .LBB2_2-.Ltmp0, $2  }
0x23: {  	_ =	sdelay $0x2  }
0x24: {  	s17 =	sshra.s32 s16, $0x2;
	s16 =	sadd.s32 $0x40, s16;
	[tilespmem:v1+s8+$0x0] =	vst.idx.add.f32.msk $0xffff, v0  }
0x25: {  	v1 =	vld [tilespmem:s17+$0x0];
	_ =	sdelay $0x7  }
0x26: {  	[tilespmem:v1+s8+$0x0] =	vst.idx.add.f32.msk $0xffff, v0  }
0x27: {  	[spmem:s2] =	stream.indirect.scatter.add.f32 [tilespmem:s8], [sflag:$0x1], $0x80, s12, s13, $0xb8;
	[tilespmem:$0x5300] =	vst v63  }
0x28: {  	_ =	swait.ge [sflag:s9], $0x2800  }
0x29: {  	[sflag:s9] =	ssyncset.done $0x0  }
0x2a: {  	[sflag:s9] =	ssyncadd.s32 $0xFFFFD800  }
0x2b: {  	s16 =	simm.s32 @!p1 $0x2800;
	s17 =	simm.s32 @!p1 $0x1;
	[bflag:$0x0] =	sbarrier.arrive $0xFFFF  }
0x2c: {  	[tilespmem:s16], [sflag:$0x1] =	stream.linear.gather @!p1 [spmem:s6], $0x400, $0x38;
	[tilespmem:$0x5300] =	vst v63  }
0x2d: {  	s15 =	sadd.s32 $0x1, s15;
	_ =	swait.ge @!p1 [sflag:s17], $0x400  }
0x2e: {  	p2 =	sne.s32 s15, s7;
	[sflag:s17] =	ssyncset.done @!p1 $0x0  }
.Ltmp1:
0x2f: {  	s18 =	simm.s32 @!p1 $0x0;
	[sflag:s17] =	ssyncadd.s32 @!p1 $0xFFFFFC00;
	(pc) =	sbr.rel @p2 .LBB2_1-.Ltmp1, $4  }
0x30: {  	[hbm4b:s14+s18] =	stream.linear.scatter @!p1 [tilespmem:s16], [sflag:$0x1], $0x400, $0x38;
	[tilespmem:$0x5300] =	vst v63  }
0x31: {  	_ =	swait.ge @!p1 [sflag:s17], $0x400  }
0x32: {  	[sflag:s17] =	ssyncset.done @!p1 $0x0  }
0x33: {  	[sflag:s17] =	ssyncadd.s32 @!p1 $0xFFFFFC00  }
0x34: {  	_ =	sfence.sel $0x180000  }
0x35: {  	[bflag:$0x0] =	sbarrier.arrive $0xFFFF  }
0x36: {  	_ =	strace $0x90000047  }
0x37: {  	s0 =	sadd.s32 @!p0 $0x100000, s0;
	[bflag:$0x2] =	sbarrier.arrive $0xFFFF  }
0x38: {  	[sflag:s0] =	ssyncadd.tile.s32 @!p0 $0x1;
	_ =	shalt  }
.Lfunc_end2:
_tile_overlayer_lowered:
.L_overlay_start_2:
0x39: {  	(tag) =	ssettag $0x2  }
0x3a: {  	s0 =	rddreg [dreg:$0x0];
	s2 =	stileid.u32  }
0x3b: {  	s1 =	rddreg [dreg:$0x1];
	p0 =	sne.s32 s2, $0x0  }
0x3c: {  	s3 =	rddreg [dreg:$0x2];
	[bflag:$0x3] =	sbarrier.arrive $0xFFFF;
	s2 =	simm.s32 @!p0 $0x1C01  }
0x3d: {  	[timem:s3], [sflag:s2] =	dma.local @!p0 [hbm:s0], s1  }
0x3e: {  	s0 =	simm.s32 @!p0 $0x1  }
0x3f: {  	_ =	swait.ge @!p0 [sflag:s0], s1  }
0x40: {  	s1 =	ssub.s32 @!p0 $0x0, s1;
	[sflag:s0] =	ssyncset.done @!p0 $0x0  }
0x41: {  	[sflag:s0] =	ssyncadd.s32 @!p0 s1  }
0x42: {  	[bflag:$0x3] =	sbarrier.arrive $0xFFFF  }
0x43: {  	_ =	shalt  }

</sc_bundles>
